<compile_context>
chip_gen: v7x
topology: tpu7x:2x2x1
jax: 0.10.2.dev20260603
libtpu: 0.0.44.dev20260713+nightly
codegen_flags: <defaults>
</compile_context>

<pallas_src>
import jax
import jax.numpy as jnp
from jax import lax
from jax.experimental import pallas as pl
from jax.experimental.pallas import tpu as pltpu
from jax.experimental.pallas import tpu_sc as plsc

N_EMBED = 1000000
Z_DIM = 32
BATCH = 16384
FIELDS = 26

NC = 2
NS = 16
NW = NC * NS

B_TOTAL = BATCH * FIELDS
S = 128
N_UNITS = B_TOTAL // S // NW
BB = BATCH // S
G = 2
N_GROUPS = N_UNITS // G
GPF = BB // G
GW = Z_DIM * S


def _make_kernel():
    mesh = plsc.VectorSubcoreMesh(
        core_axis_name="c", subcore_axis_name="s", num_cores=NC, num_subcores=NS
    )

    @pl.kernel(
        out_type=jax.ShapeDtypeStruct((B_TOTAL * Z_DIM,), jnp.float32),
        mesh=mesh,
        scratch_types=[
            pltpu.VMEM((N_UNITS, S), jnp.int32),
            pltpu.VMEM((G * S, 128), jnp.float32),
            pltpu.VMEM((G * S, 128), jnp.float32),
            pltpu.VMEM((G * GW,), jnp.float32),
            pltpu.VMEM((G * GW,), jnp.float32),
            pltpu.SemaphoreType.DMA,
            pltpu.SemaphoreType.DMA,
            pltpu.SemaphoreType.DMA,
            pltpu.SemaphoreType.DMA,
        ],
        compiler_params=pltpu.CompilerParams(
            use_tc_tiling_on_sc=False, needs_layout_passes=False),
    )
    def gather_kernel(idx_hbm, table_hbm, out_hbm,
                      idx_v, bufa, bufb, ta, tb, sga, sgb, soa, sob):
        wid = lax.axis_index("s") * NC + lax.axis_index("c")
        gbase = wid * N_GROUPS
        pltpu.sync_copy(idx_hbm.at[wid], idx_v)

        lane = lax.iota(jnp.int32, 16)
        vb0 = (lane // 8) * (G * 1024) + (lane % 8) * 128
        vb1 = (2 + lane // 8) * (G * 1024) + (lane % 8) * 128

        def fire_gather(buf, sem, gl):
            for k in range(G):
                pltpu.async_copy(table_hbm.at[idx_v.at[gl * G + k]],
                                 buf.at[pl.ds(k * S, S)], sem)

        def drain_gather(buf, sem):
            for k in range(G):
                pltpu.make_async_copy(table_hbm.at[idx_v.at[0]],
                                      buf.at[pl.ds(k * S, S)], sem).wait()

        def transpose(buf, tbuf):
            def step(it, carry):
                b = it * 2
                for b2 in range(2):
                    for k in range(G):
                        row = k * S + b + b2
                        off = k * 1024 + b + b2
                        v0 = buf[row, pl.ds(0, 16)]
                        plsc.store_scatter(tbuf, [vb0 + off], v0)
                        v1 = buf[row, pl.ds(16, 16)]
                        plsc.store_scatter(tbuf, [vb1 + off], v1)
                return carry

            lax.fori_loop(0, S // 2, step, 0)

        def out_off(gg, g):
            f = gg // GPF
            bb0 = (gg % GPF) * G
            return ((f * 4 + g) * BB + bb0) * 1024

        def fire_out(tbuf, sem, gg):
            for g in range(Z_DIM // 8):
                pltpu.async_copy(tbuf.at[pl.ds(g * G * 1024, G * 1024)],
                                 out_hbm.at[pl.ds(out_off(gg, g), G * 1024)],
                                 sem)

        def drain_out(tbuf, sem, gg):
            for g in range(Z_DIM // 8):
                pltpu.make_async_copy(
                    tbuf.at[pl.ds(g * G * 1024, G * 1024)],
                    out_hbm.at[pl.ds(out_off(gg, g), G * 1024)], sem).wait()

        fire_gather(bufa, sga, 0)
        fire_gather(bufb, sgb, 1)

        def body(i, carry):
            la = 2 * i
            lb = la + 1
            ga = gbase + la
            gb = ga + 1

            drain_gather(bufa, sga)

            @pl.when(i > 0)
            def _():
                drain_out(ta, soa, ga - 2)

            transpose(bufa, ta)
            fire_out(ta, soa, ga)

            @pl.when(i < N_GROUPS // 2 - 1)
            def _():
                fire_gather(bufa, sga, la + 2)

            drain_gather(bufb, sgb)

            @pl.when(i > 0)
            def _():
                drain_out(tb, sob, gb - 2)

            transpose(bufb, tb)
            fire_out(tb, sob, gb)

            @pl.when(i < N_GROUPS // 2 - 1)
            def _():
                fire_gather(bufb, sgb, lb + 2)

            return carry

        lax.fori_loop(0, N_GROUPS // 2, body, 0)
        drain_out(ta, soa, gbase + N_GROUPS - 2)
        drain_out(tb, sob, gbase + N_GROUPS - 1)

    return gather_kernel


def kernel(x, table):
    idx = x.T.reshape(NW, N_UNITS, S)
    tpad = jnp.pad(table, ((0, 0), (0, 128 - Z_DIM)))
    flat = _make_kernel()(idx, tpad)
    out5 = flat.reshape(FIELDS, Z_DIM // 8, BB, 8, S)
    return out5.transpose(2, 4, 0, 1, 3).reshape(BATCH, FIELDS, Z_DIM)

# --- scband reference (transcript-rebuilt; emitter-appended) ---
"""Pipeline reference for scband-embed-53584011985590 (READ-ONLY COPY).

The authoritative reference and input builder live on the scoring server;
editing this copy changes nothing except your own understanding.
"""

import jax, jax.numpy as jnp
import numpy as np

N_EMBED = 1000000
Z_DIM = 32
BATCH = 16384
FIELDS = 26

def setup_inputs(seed: int = 0) -> dict:
    key = jax.random.key(seed)
    x = jax.random.randint(key, (BATCH, FIELDS), 0, N_EMBED, dtype=jnp.int32)
    # Embedding table initialized exactly like the torch module: ones * 0.5
    table = jnp.full((N_EMBED, Z_DIM), 0.5, dtype=jnp.float32)
    return {"x": x, "table": table}

def reference(x, table):
    # nn.Embedding forward == row gather from the table
    return jnp.take(table, x, axis=0)

if __name__ == "__main__":
    import jax
    _d = setup_inputs()
    print(jax.jit(kernel)(*tuple(_d.values())))

</pallas_src>

<mosaic_0001>
#map = affine_map<(d0, d1) -> (0, 0, 0)>
#map1 = affine_map<(d0, d1) -> (0, 0)>
#map2 = affine_map<(d0, d1) -> (0)>
module attributes {stable_mosaic.version = 14 : i64} {
  func.func @gather_kernel(%arg0: i32, %arg1: i32, %arg2: memref<32x104x128xi32, #tpu.memory_space<hbm>>, %arg3: memref<1000000x128xf32, #tpu.memory_space<hbm>>, %arg4: memref<13631488xf32, #tpu.memory_space<hbm>>, %arg5: memref<104x128xi32, #tpu.memory_space<vmem>>, %arg6: memref<256x128xf32, #tpu.memory_space<vmem>>, %arg7: memref<256x128xf32, #tpu.memory_space<vmem>>, %arg8: memref<8192xf32, #tpu.memory_space<vmem>>, %arg9: memref<8192xf32, #tpu.memory_space<vmem>>, %arg10: memref<!tpu.dma_semaphore, #tpu.memory_space<semaphore_mem>>, %arg11: memref<!tpu.dma_semaphore, #tpu.memory_space<semaphore_mem>>, %arg12: memref<!tpu.dma_semaphore, #tpu.memory_space<semaphore_mem>>, %arg13: memref<!tpu.dma_semaphore, #tpu.memory_space<semaphore_mem>>) attributes {dimension_semantics = [#tpu.dimension_semantics<core_parallel>, #tpu.dimension_semantics<subcore_parallel>], iteration_bounds = array<i64: 2, 16>, scalar_prefetch = 0 : i64, scratch_operands = 9 : i64, tpu.core_type = #tpu.core_type<sc_vector_subcore>, window_params = [{transform_indices = #map}, {transform_indices = #map1}, {transform_indices = #map2}]} {
    %mul3A = arith.constant 2 : i32
    %mul3A_0 = arith.muli %arg1, %mul3A : i32
    %add3A = arith.addi %mul3A_0, %arg0 : i32
    %mul3A_1 = arith.constant 52 : i32
    %mul3A_2 = arith.muli %add3A, %mul3A_1 : i32
    "tpu.region"() ({
      %run_scoped3A = tpu.sem_alloc : memref<!tpu.dma_semaphore, #tpu.memory_space<semaphore_mem>>
      %dma_start3A_623 = arith.constant 0 : i32
      %dma_start3A_624 = arith.constant 0 : i32
      %dma_start3A_625 = tpu.memref_slice %arg2[%add3A, %dma_start3A_623, %dma_start3A_624] : memref<32x104x128xi32, #tpu.memory_space<hbm>> -> memref<1x104x128xi32, #tpu.memory_space<hbm>>
      %dma_start3A_626 = tpu.memref_squeeze %dma_start3A_625 : memref<1x104x128xi32, #tpu.memory_space<hbm>> -> memref<104x128xi32, #tpu.memory_space<hbm>>
      %dma_start3A_627 = arith.constant 0 : i32
      %dma_start3A_628 = arith.constant 0 : i32
      %dma_start3A_629 = tpu.memref_slice %arg2[%add3A, %dma_start3A_627, %dma_start3A_628] : memref<32x104x128xi32, #tpu.memory_space<hbm>> -> memref<1x104x128xi32, #tpu.memory_space<hbm>>
      %dma_start3A_630 = tpu.memref_squeeze %dma_start3A_629 : memref<1x104x128xi32, #tpu.memory_space<hbm>> -> memref<104x128xi32, #tpu.memory_space<hbm>>
      tpu.enqueue_dma source(%dma_start3A_630 : memref<104x128xi32, #tpu.memory_space<hbm>>) target(%arg5 : memref<104x128xi32, #tpu.memory_space<vmem>>) target_semaphore(%run_scoped3A : memref<!tpu.dma_semaphore, #tpu.memory_space<semaphore_mem>>)
      %dma_wait3A_631 = arith.constant 0 : i32
      %dma_wait3A_632 = arith.constant 0 : i32
      %dma_wait3A_633 = tpu.memref_slice %arg2[%add3A, %dma_wait3A_631, %dma_wait3A_632] : memref<32x104x128xi32, #tpu.memory_space<hbm>> -> memref<1x104x128xi32, #tpu.memory_space<hbm>>
      %dma_wait3A_634 = tpu.memref_squeeze %dma_wait3A_633 : memref<1x104x128xi32, #tpu.memory_space<hbm>> -> memref<104x128xi32, #tpu.memory_space<hbm>>
      %dma_wait3A_635 = arith.constant 0 : i32
      %dma_wait3A_636 = arith.constant 0 : i32
      %dma_wait3A_637 = tpu.memref_slice %arg2[%add3A, %dma_wait3A_635, %dma_wait3A_636] : memref<32x104x128xi32, #tpu.memory_space<hbm>> -> memref<1x104x128xi32, #tpu.memory_space<hbm>>
      %dma_wait3A_638 = tpu.memref_squeeze %dma_wait3A_637 : memref<1x104x128xi32, #tpu.memory_space<hbm>> -> memref<104x128xi32, #tpu.memory_space<hbm>>
      tpu.wait_dma2 semaphore(%run_scoped3A : memref<!tpu.dma_semaphore, #tpu.memory_space<semaphore_mem>>) src(%dma_wait3A_638 : memref<104x128xi32, #tpu.memory_space<hbm>>) dst(%arg5 : memref<104x128xi32, #tpu.memory_space<vmem>>)
      tpu.yield
    }) : () -> ()
    %iota3A = tpu.iota {dimensions = array<i32: 0>} : vector<16xi32>
    %jit3A = arith.constant 8 : i32
    %div3A = vector.broadcast %jit3A : i32 to vector<16xi32>
    %div3A_3 = arith.divsi %iota3A, %div3A : vector<16xi32>
    %sign3A = arith.constant 0 : i32
    %sign3A_4 = vector.broadcast %sign3A : i32 to vector<16xi32>
    %sign3A_5 = arith.cmpi sgt, %iota3A, %sign3A_4 : vector<16xi32>
    %sign3A_6 = arith.extui %sign3A_5 : vector<16xi1> to vector<16xi32>
    %sign3A_7 = arith.constant 0 : i32
    %sign3A_8 = vector.broadcast %sign3A_7 : i32 to vector<16xi32>
    %sign3A_9 = arith.cmpi slt, %iota3A, %sign3A_8 : vector<16xi32>
    %sign3A_10 = arith.extui %sign3A_9 : vector<16xi1> to vector<16xi32>
    %sign3A_11 = arith.subi %sign3A_6, %sign3A_10 : vector<16xi32>
    %sign3A_12 = arith.constant 0 : i32
    %sign3A_13 = arith.cmpi sgt, %jit3A, %sign3A_12 : i32
    %sign3A_14 = arith.extui %sign3A_13 : i1 to i32
    %sign3A_15 = arith.constant 0 : i32
    %sign3A_16 = arith.cmpi slt, %jit3A, %sign3A_15 : i32
    %sign3A_17 = arith.extui %sign3A_16 : i1 to i32
    %sign3A_18 = arith.subi %sign3A_14, %sign3A_17 : i32
    %ne3A = vector.broadcast %sign3A_18 : i32 to vector<16xi32>
    %ne3A_19 = arith.cmpi ne, %sign3A_11, %ne3A : vector<16xi32>
    %rem3A = vector.broadcast %jit3A : i32 to vector<16xi32>
    %rem3A_20 = arith.remsi %iota3A, %rem3A : vector<16xi32>
    %ne3A_21 = arith.constant 0 : i32
    %ne3A_22 = vector.broadcast %ne3A_21 : i32 to vector<16xi32>
    %ne3A_23 = arith.cmpi ne, %rem3A_20, %ne3A_22 : vector<16xi32>
    %and3A = arith.andi %ne3A_19, %ne3A_23 : vector<16xi1>
    %sub3A = arith.constant 1 : i32
    %sub3A_24 = vector.broadcast %sub3A : i32 to vector<16xi32>
    %sub3A_25 = arith.subi %div3A_3, %sub3A_24 : vector<16xi32>
    %select_n3A = arith.select %and3A, %sub3A_25, %div3A_3 : vector<16xi1>, vector<16xi32>
    %mul3A_26 = arith.constant 2048 : i32
    %mul3A_27 = vector.broadcast %mul3A_26 : i32 to vector<16xi32>
    %mul3A_28 = arith.muli %select_n3A, %mul3A_27 : vector<16xi32>
    %jit3A_29 = arith.constant 8 : i32
    %eq3A = arith.constant 0 : i32
    %eq3A_30 = arith.cmpi eq, %jit3A_29, %eq3A : i32
    %jit3A_31 = arith.constant 1 : i32
    %select_n3A_32 = arith.select %eq3A_30, %jit3A_31, %jit3A_29 : i32
    %rem3A_33 = vector.broadcast %select_n3A_32 : i32 to vector<16xi32>
    %rem3A_34 = arith.remsi %iota3A, %rem3A_33 : vector<16xi32>
    %ne3A_35 = arith.constant 0 : i32
    %ne3A_36 = vector.broadcast %ne3A_35 : i32 to vector<16xi32>
    %ne3A_37 = arith.cmpi ne, %rem3A_34, %ne3A_36 : vector<16xi32>
    %lt3A = arith.constant 0 : i32
    %lt3A_38 = vector.broadcast %lt3A : i32 to vector<16xi32>
    %lt3A_39 = arith.cmpi slt, %rem3A_34, %lt3A_38 : vector<16xi32>
    %lt3A_40 = arith.constant 0 : i32
    %lt3A_41 = arith.cmpi slt, %select_n3A_32, %lt3A_40 : i32
    %ne3A_42 = vector.broadcast %lt3A_41 : i1 to vector<16xi1>
    %ne3A_43 = vector.broadcast %ne3A_42 : vector<16xi1> to vector<16xi1>
    %ne3A_44 = arith.xori %lt3A_39, %ne3A_43 : vector<16xi1>
    %and3A_45 = arith.andi %ne3A_44, %ne3A_37 : vector<16xi1>
    %add3A_46 = vector.broadcast %select_n3A_32 : i32 to vector<16xi32>
    %add3A_47 = arith.addi %rem3A_34, %add3A_46 : vector<16xi32>
    %select_n3A_48 = arith.select %and3A_45, %add3A_47, %rem3A_34 : vector<16xi1>, vector<16xi32>
    %mul3A_49 = arith.constant 128 : i32
    %mul3A_50 = vector.broadcast %mul3A_49 : i32 to vector<16xi32>
    %mul3A_51 = arith.muli %select_n3A_48, %mul3A_50 : vector<16xi32>
    %add3A_52 = arith.addi %mul3A_28, %mul3A_51 : vector<16xi32>
    %jit3A_53 = arith.constant 8 : i32
    %div3A_54 = vector.broadcast %jit3A_53 : i32 to vector<16xi32>
    %div3A_55 = arith.divsi %iota3A, %div3A_54 : vector<16xi32>
    %sign3A_56 = arith.constant 0 : i32
    %sign3A_57 = vector.broadcast %sign3A_56 : i32 to vector<16xi32>
    %sign3A_58 = arith.cmpi sgt, %iota3A, %sign3A_57 : vector<16xi32>
    %sign3A_59 = arith.extui %sign3A_58 : vector<16xi1> to vector<16xi32>
    %sign3A_60 = arith.constant 0 : i32
    %sign3A_61 = vector.broadcast %sign3A_60 : i32 to vector<16xi32>
    %sign3A_62 = arith.cmpi slt, %iota3A, %sign3A_61 : vector<16xi32>
    %sign3A_63 = arith.extui %sign3A_62 : vector<16xi1> to vector<16xi32>
    %sign3A_64 = arith.subi %sign3A_59, %sign3A_63 : vector<16xi32>
    %sign3A_65 = arith.constant 0 : i32
    %sign3A_66 = arith.cmpi sgt, %jit3A_53, %sign3A_65 : i32
    %sign3A_67 = arith.extui %sign3A_66 : i1 to i32
    %sign3A_68 = arith.constant 0 : i32
    %sign3A_69 = arith.cmpi slt, %jit3A_53, %sign3A_68 : i32
    %sign3A_70 = arith.extui %sign3A_69 : i1 to i32
    %sign3A_71 = arith.subi %sign3A_67, %sign3A_70 : i32
    %ne3A_72 = vector.broadcast %sign3A_71 : i32 to vector<16xi32>
    %ne3A_73 = arith.cmpi ne, %sign3A_64, %ne3A_72 : vector<16xi32>
    %rem3A_74 = vector.broadcast %jit3A_53 : i32 to vector<16xi32>
    %rem3A_75 = arith.remsi %iota3A, %rem3A_74 : vector<16xi32>
    %ne3A_76 = arith.constant 0 : i32
    %ne3A_77 = vector.broadcast %ne3A_76 : i32 to vector<16xi32>
    %ne3A_78 = arith.cmpi ne, %rem3A_75, %ne3A_77 : vector<16xi32>
    %and3A_79 = arith.andi %ne3A_73, %ne3A_78 : vector<16xi1>
    %sub3A_80 = arith.constant 1 : i32
    %sub3A_81 = vector.broadcast %sub3A_80 : i32 to vector<16xi32>
    %sub3A_82 = arith.subi %div3A_55, %sub3A_81 : vector<16xi32>
    %select_n3A_83 = arith.select %and3A_79, %sub3A_82, %div3A_55 : vector<16xi1>, vector<16xi32>
    %add3A_84 = arith.constant 2 : i32
    %add3A_85 = vector.broadcast %add3A_84 : i32 to vector<16xi32>
    %add3A_86 = arith.addi %add3A_85, %select_n3A_83 : vector<16xi32>
    %mul3A_87 = arith.constant 2048 : i32
    %mul3A_88 = vector.broadcast %mul3A_87 : i32 to vector<16xi32>
    %mul3A_89 = arith.muli %add3A_86, %mul3A_88 : vector<16xi32>
    %jit3A_90 = arith.constant 8 : i32
    %eq3A_91 = arith.constant 0 : i32
    %eq3A_92 = arith.cmpi eq, %jit3A_90, %eq3A_91 : i32
    %jit3A_93 = arith.constant 1 : i32
    %select_n3A_94 = arith.select %eq3A_92, %jit3A_93, %jit3A_90 : i32
    %rem3A_95 = vector.broadcast %select_n3A_94 : i32 to vector<16xi32>
    %rem3A_96 = arith.remsi %iota3A, %rem3A_95 : vector<16xi32>
    %ne3A_97 = arith.constant 0 : i32
    %ne3A_98 = vector.broadcast %ne3A_97 : i32 to vector<16xi32>
    %ne3A_99 = arith.cmpi ne, %rem3A_96, %ne3A_98 : vector<16xi32>
    %lt3A_100 = arith.constant 0 : i32
    %lt3A_101 = vector.broadcast %lt3A_100 : i32 to vector<16xi32>
    %lt3A_102 = arith.cmpi slt, %rem3A_96, %lt3A_101 : vector<16xi32>
    %lt3A_103 = arith.constant 0 : i32
    %lt3A_104 = arith.cmpi slt, %select_n3A_94, %lt3A_103 : i32
    %ne3A_105 = vector.broadcast %lt3A_104 : i1 to vector<16xi1>
    %ne3A_106 = vector.broadcast %ne3A_105 : vector<16xi1> to vector<16xi1>
    %ne3A_107 = arith.xori %lt3A_102, %ne3A_106 : vector<16xi1>
    %and3A_108 = arith.andi %ne3A_107, %ne3A_99 : vector<16xi1>
    %add3A_109 = vector.broadcast %select_n3A_94 : i32 to vector<16xi32>
    %add3A_110 = arith.addi %rem3A_96, %add3A_109 : vector<16xi32>
    %select_n3A_111 = arith.select %and3A_108, %add3A_110, %rem3A_96 : vector<16xi1>, vector<16xi32>
    %mul3A_112 = arith.constant 128 : i32
    %mul3A_113 = vector.broadcast %mul3A_112 : i32 to vector<16xi32>
    %mul3A_114 = arith.muli %select_n3A_111, %mul3A_113 : vector<16xi32>
    %add3A_115 = arith.addi %mul3A_89, %mul3A_114 : vector<16xi32>
    %dma_start3A = arith.constant 0 : i32
    %dma_start3A_116 = arith.constant 0 : i32
    %dma_start3A_117 = arith.constant 0 : i32
    %dma_start3A_118 = tpu.memref_slice %arg6[%dma_start3A_116, %dma_start3A_117] : memref<256x128xf32, #tpu.memory_space<vmem>> -> memref<128x128xf32, #tpu.memory_space<vmem>>
    %dma_start3A_119 = arith.constant 0 : i32
    %dma_start3A_120 = tpu.memref_slice %arg5[%dma_start3A, %dma_start3A_119] : memref<104x128xi32, #tpu.memory_space<vmem>> -> memref<1x128xi32, #tpu.memory_space<vmem>>
    %dma_start3A_121 = tpu.memref_squeeze %dma_start3A_120 : memref<1x128xi32, #tpu.memory_space<vmem>> -> memref<128xi32, #tpu.memory_space<vmem>>
    %dma_start3A_122 = arith.constant 0 : i32
    %dma_start3A_123 = arith.constant 0 : i32
    %dma_start3A_124 = tpu.memref_slice %arg3[%dma_start3A_122, %dma_start3A_123] : memref<1000000x128xf32, #tpu.memory_space<hbm>> -> memref<1000000x128xf32, #tpu.memory_space<hbm>>
    tpu.enqueue_indirect_dma source(%dma_start3A_124 : memref<1000000x128xf32, #tpu.memory_space<hbm>>) target(%dma_start3A_118 : memref<128x128xf32, #tpu.memory_space<vmem>>) offsets(%dma_start3A_121 : memref<128xi32, #tpu.memory_space<vmem>>) semaphore(%arg10 : memref<!tpu.dma_semaphore, #tpu.memory_space<semaphore_mem>>)
    %dma_start3A_125 = arith.constant 1 : i32
    %dma_start3A_126 = arith.constant 128 : i32
    %dma_start3A_127 = arith.constant 0 : i32
    %dma_start3A_128 = tpu.memref_slice %arg6[%dma_start3A_126, %dma_start3A_127] : memref<256x128xf32, #tpu.memory_space<vmem>> -> memref<128x128xf32, #tpu.memory_space<vmem>>
    %dma_start3A_129 = arith.constant 0 : i32
    %dma_start3A_130 = tpu.memref_slice %arg5[%dma_start3A_125, %dma_start3A_129] : memref<104x128xi32, #tpu.memory_space<vmem>> -> memref<1x128xi32, #tpu.memory_space<vmem>>
    %dma_start3A_131 = tpu.memref_squeeze %dma_start3A_130 : memref<1x128xi32, #tpu.memory_space<vmem>> -> memref<128xi32, #tpu.memory_space<vmem>>
    %dma_start3A_132 = arith.constant 0 : i32
    %dma_start3A_133 = arith.constant 0 : i32
    %dma_start3A_134 = tpu.memref_slice %arg3[%dma_start3A_132, %dma_start3A_133] : memref<1000000x128xf32, #tpu.memory_space<hbm>> -> memref<1000000x128xf32, #tpu.memory_space<hbm>>
    tpu.enqueue_indirect_dma source(%dma_start3A_134 : memref<1000000x128xf32, #tpu.memory_space<hbm>>) target(%dma_start3A_128 : memref<128x128xf32, #tpu.memory_space<vmem>>) offsets(%dma_start3A_131 : memref<128xi32, #tpu.memory_space<vmem>>) semaphore(%arg10 : memref<!tpu.dma_semaphore, #tpu.memory_space<semaphore_mem>>)
    %dma_start3A_135 = arith.constant 2 : i32
    %dma_start3A_136 = arith.constant 0 : i32
    %dma_start3A_137 = arith.constant 0 : i32
    %dma_start3A_138 = tpu.memref_slice %arg7[%dma_start3A_136, %dma_start3A_137] : memref<256x128xf32, #tpu.memory_space<vmem>> -> memref<128x128xf32, #tpu.memory_space<vmem>>
    %dma_start3A_139 = arith.constant 0 : i32
    %dma_start3A_140 = tpu.memref_slice %arg5[%dma_start3A_135, %dma_start3A_139] : memref<104x128xi32, #tpu.memory_space<vmem>> -> memref<1x128xi32, #tpu.memory_space<vmem>>
    %dma_start3A_141 = tpu.memref_squeeze %dma_start3A_140 : memref<1x128xi32, #tpu.memory_space<vmem>> -> memref<128xi32, #tpu.memory_space<vmem>>
    %dma_start3A_142 = arith.constant 0 : i32
    %dma_start3A_143 = arith.constant 0 : i32
    %dma_start3A_144 = tpu.memref_slice %arg3[%dma_start3A_142, %dma_start3A_143] : memref<1000000x128xf32, #tpu.memory_space<hbm>> -> memref<1000000x128xf32, #tpu.memory_space<hbm>>
    tpu.enqueue_indirect_dma source(%dma_start3A_144 : memref<1000000x128xf32, #tpu.memory_space<hbm>>) target(%dma_start3A_138 : memref<128x128xf32, #tpu.memory_space<vmem>>) offsets(%dma_start3A_141 : memref<128xi32, #tpu.memory_space<vmem>>) semaphore(%arg11 : memref<!tpu.dma_semaphore, #tpu.memory_space<semaphore_mem>>)
    %dma_start3A_145 = arith.constant 3 : i32
    %dma_start3A_146 = arith.constant 128 : i32
    %dma_start3A_147 = arith.constant 0 : i32
    %dma_start3A_148 = tpu.memref_slice %arg7[%dma_start3A_146, %dma_start3A_147] : memref<256x128xf32, #tpu.memory_space<vmem>> -> memref<128x128xf32, #tpu.memory_space<vmem>>
    %dma_start3A_149 = arith.constant 0 : i32
    %dma_start3A_150 = tpu.memref_slice %arg5[%dma_start3A_145, %dma_start3A_149] : memref<104x128xi32, #tpu.memory_space<vmem>> -> memref<1x128xi32, #tpu.memory_space<vmem>>
    %dma_start3A_151 = tpu.memref_squeeze %dma_start3A_150 : memref<1x128xi32, #tpu.memory_space<vmem>> -> memref<128xi32, #tpu.memory_space<vmem>>
    %dma_start3A_152 = arith.constant 0 : i32
    %dma_start3A_153 = arith.constant 0 : i32
    %dma_start3A_154 = tpu.memref_slice %arg3[%dma_start3A_152, %dma_start3A_153] : memref<1000000x128xf32, #tpu.memory_space<hbm>> -> memref<1000000x128xf32, #tpu.memory_space<hbm>>
    tpu.enqueue_indirect_dma source(%dma_start3A_154 : memref<1000000x128xf32, #tpu.memory_space<hbm>>) target(%dma_start3A_148 : memref<128x128xf32, #tpu.memory_space<vmem>>) offsets(%dma_start3A_151 : memref<128xi32, #tpu.memory_space<vmem>>) semaphore(%arg11 : memref<!tpu.dma_semaphore, #tpu.memory_space<semaphore_mem>>)
    %scan3A = arith.constant 0 : i32
    %scan3A_155 = arith.constant 0 : i32
    %scan3A_156 = arith.constant 26 : i32
    %scan3A_157 = arith.addi %scan3A_155, %scan3A_156 : i32
    %scan3A_158 = arith.constant 1 : i32
    scf.for %scan3A_623 = %scan3A_155 to %scan3A_157 step %scan3A_158  : i32 {
      %mul3A_624 = arith.constant 2 : i32
      %mul3A_625 = arith.muli %mul3A_624, %scan3A_623 : i32
      %add3A_626 = arith.constant 1 : i32
      %add3A_627 = arith.addi %mul3A_625, %add3A_626 : i32
      %add3A_628 = arith.addi %mul3A_2, %mul3A_625 : i32
      %add3A_629 = arith.constant 1 : i32
      %add3A_630 = arith.addi %add3A_628, %add3A_629 : i32
      %dma_wait3A_631 = arith.constant 0 : i32
      %dma_wait3A_632 = arith.constant 0 : i32
      %dma_wait3A_633 = arith.constant 0 : i32
      %dma_wait3A_634 = tpu.memref_slice %arg6[%dma_wait3A_632, %dma_wait3A_633] : memref<256x128xf32, #tpu.memory_space<vmem>> -> memref<128x128xf32, #tpu.memory_space<vmem>>
      %dma_wait3A_635 = arith.constant 0 : i32
      %dma_wait3A_636 = tpu.memref_slice %arg5[%dma_wait3A_631, %dma_wait3A_635] : memref<104x128xi32, #tpu.memory_space<vmem>> -> memref<1x128xi32, #tpu.memory_space<vmem>>
      %dma_wait3A_637 = tpu.memref_squeeze %dma_wait3A_636 : memref<1x128xi32, #tpu.memory_space<vmem>> -> memref<128xi32, #tpu.memory_space<vmem>>
      %dma_wait3A_638 = arith.constant 0 : i32
      %dma_wait3A_639 = arith.constant 0 : i32
      %dma_wait3A_640 = tpu.memref_slice %arg3[%dma_wait3A_638, %dma_wait3A_639] : memref<1000000x128xf32, #tpu.memory_space<hbm>> -> memref<1000000x128xf32, #tpu.memory_space<hbm>>
      tpu.wait_indirect_dma semaphore(%arg10 : memref<!tpu.dma_semaphore, #tpu.memory_space<semaphore_mem>>) src(%dma_wait3A_640 : memref<1000000x128xf32, #tpu.memory_space<hbm>>) dst(%dma_wait3A_634 : memref<128x128xf32, #tpu.memory_space<vmem>>)
      %dma_wait3A_641 = arith.constant 0 : i32
      %dma_wait3A_642 = arith.constant 128 : i32
      %dma_wait3A_643 = arith.constant 0 : i32
      %dma_wait3A_644 = tpu.memref_slice %arg6[%dma_wait3A_642, %dma_wait3A_643] : memref<256x128xf32, #tpu.memory_space<vmem>> -> memref<128x128xf32, #tpu.memory_space<vmem>>
      %dma_wait3A_645 = arith.constant 0 : i32
      %dma_wait3A_646 = tpu.memref_slice %arg5[%dma_wait3A_641, %dma_wait3A_645] : memref<104x128xi32, #tpu.memory_space<vmem>> -> memref<1x128xi32, #tpu.memory_space<vmem>>
      %dma_wait3A_647 = tpu.memref_squeeze %dma_wait3A_646 : memref<1x128xi32, #tpu.memory_space<vmem>> -> memref<128xi32, #tpu.memory_space<vmem>>
      %dma_wait3A_648 = arith.constant 0 : i32
      %dma_wait3A_649 = arith.constant 0 : i32
      %dma_wait3A_650 = tpu.memref_slice %arg3[%dma_wait3A_648, %dma_wait3A_649] : memref<1000000x128xf32, #tpu.memory_space<hbm>> -> memref<1000000x128xf32, #tpu.memory_space<hbm>>
      tpu.wait_indirect_dma semaphore(%arg10 : memref<!tpu.dma_semaphore, #tpu.memory_space<semaphore_mem>>) src(%dma_wait3A_650 : memref<1000000x128xf32, #tpu.memory_space<hbm>>) dst(%dma_wait3A_644 : memref<128x128xf32, #tpu.memory_space<vmem>>)
      %gt3A = arith.constant 0 : i32
      %gt3A_651 = arith.cmpi sgt, %scan3A_623, %gt3A : i32
      %convert_element_type3A = arith.extui %gt3A_651 : i1 to i32
      %cond3A = arith.constant 0 : i32
      %cond3A_652 = arith.cmpi ne, %convert_element_type3A, %cond3A : i32
      scf.if %cond3A_652 {
        %sub3A_1156 = arith.constant 2 : i32
        %sub3A_1157 = arith.subi %add3A_628, %sub3A_1156 : i32
        %jit3A_1158 = arith.constant 64 : i32
        %div3A_1159 = arith.divsi %sub3A_1157, %jit3A_1158 : i32
        %sign3A_1160 = arith.constant 0 : i32
        %sign3A_1161 = arith.cmpi sgt, %sub3A_1157, %sign3A_1160 : i32
        %sign3A_1162 = arith.extui %sign3A_1161 : i1 to i32
        %sign3A_1163 = arith.constant 0 : i32
        %sign3A_1164 = arith.cmpi slt, %sub3A_1157, %sign3A_1163 : i32
        %sign3A_1165 = arith.extui %sign3A_1164 : i1 to i32
        %sign3A_1166 = arith.subi %sign3A_1162, %sign3A_1165 : i32
        %sign3A_1167 = arith.constant 0 : i32
        %sign3A_1168 = arith.cmpi sgt, %jit3A_1158, %sign3A_1167 : i32
        %sign3A_1169 = arith.extui %sign3A_1168 : i1 to i32
        %sign3A_1170 = arith.constant 0 : i32
        %sign3A_1171 = arith.cmpi slt, %jit3A_1158, %sign3A_1170 : i32
        %sign3A_1172 = arith.extui %sign3A_1171 : i1 to i32
        %sign3A_1173 = arith.subi %sign3A_1169, %sign3A_1172 : i32
        %ne3A_1174 = arith.cmpi ne, %sign3A_1166, %sign3A_1173 : i32
        %rem3A_1175 = arith.remsi %sub3A_1157, %jit3A_1158 : i32
        %ne3A_1176 = arith.constant 0 : i32
        %ne3A_1177 = arith.cmpi ne, %rem3A_1175, %ne3A_1176 : i32
        %and3A_1178 = arith.andi %ne3A_1174, %ne3A_1177 : i1
        %sub3A_1179 = arith.constant 1 : i32
        %sub3A_1180 = arith.subi %div3A_1159, %sub3A_1179 : i32
        %select_n3A_1181 = arith.select %and3A_1178, %sub3A_1180, %div3A_1159 : i32
        %jit3A_1182 = arith.constant 64 : i32
        %eq3A_1183 = arith.constant 0 : i32
        %eq3A_1184 = arith.cmpi eq, %jit3A_1182, %eq3A_1183 : i32
        %jit3A_1185 = arith.constant 1 : i32
        %select_n3A_1186 = arith.select %eq3A_1184, %jit3A_1185, %jit3A_1182 : i32
        %rem3A_1187 = arith.remsi %sub3A_1157, %select_n3A_1186 : i32
        %ne3A_1188 = arith.constant 0 : i32
        %ne3A_1189 = arith.cmpi ne, %rem3A_1187, %ne3A_1188 : i32
        %lt3A_1190 = arith.constant 0 : i32
        %lt3A_1191 = arith.cmpi slt, %rem3A_1187, %lt3A_1190 : i32
        %lt3A_1192 = arith.constant 0 : i32
        %lt3A_1193 = arith.cmpi slt, %select_n3A_1186, %lt3A_1192 : i32
        %ne3A_1194 = arith.xori %lt3A_1191, %lt3A_1193 : i1
        %and3A_1195 = arith.andi %ne3A_1194, %ne3A_1189 : i1
        %add3A_1196 = arith.addi %rem3A_1187, %select_n3A_1186 : i32
        %select_n3A_1197 = arith.select %and3A_1195, %add3A_1196, %rem3A_1187 : i32
        %mul3A_1198 = arith.constant 2 : i32
        %mul3A_1199 = arith.muli %select_n3A_1197, %mul3A_1198 : i32
        %mul3A_1200 = arith.constant 4 : i32
        %mul3A_1201 = arith.muli %select_n3A_1181, %mul3A_1200 : i32
        %add3A_1202 = arith.constant 0 : i32
        %add3A_1203 = arith.addi %mul3A_1201, %add3A_1202 : i32
        %mul3A_1204 = arith.constant 128 : i32
        %mul3A_1205 = arith.muli %add3A_1203, %mul3A_1204 : i32
        %add3A_1206 = arith.addi %mul3A_1205, %mul3A_1199 : i32
        %mul3A_1207 = arith.constant 1024 : i32
        %mul3A_1208 = arith.muli %add3A_1206, %mul3A_1207 : i32
        %dma_wait3A_1209 = arith.constant 0 : i32
        %dma_wait3A_1210 = tpu.memref_slice %arg8[%dma_wait3A_1209] : memref<8192xf32, #tpu.memory_space<vmem>> -> memref<2048xf32, #tpu.memory_space<vmem>>
        %dma_wait3A_1211 = tpu.memref_slice %arg4[%mul3A_1208] : memref<13631488xf32, #tpu.memory_space<hbm>> -> memref<2048xf32, #tpu.memory_space<hbm>>
        %dma_wait3A_1212 = tpu.memref_slice %arg4[%mul3A_1208] : memref<13631488xf32, #tpu.memory_space<hbm>> -> memref<2048xf32, #tpu.memory_space<hbm>>
        %dma_wait3A_1213 = arith.constant 0 : i32
        %dma_wait3A_1214 = tpu.memref_slice %arg8[%dma_wait3A_1213] : memref<8192xf32, #tpu.memory_space<vmem>> -> memref<2048xf32, #tpu.memory_space<vmem>>
        tpu.wait_dma2 semaphore(%arg12 : memref<!tpu.dma_semaphore, #tpu.memory_space<semaphore_mem>>) src(%dma_wait3A_1214 : memref<2048xf32, #tpu.memory_space<vmem>>) dst(%dma_wait3A_1212 : memref<2048xf32, #tpu.memory_space<hbm>>)
        %jit3A_1215 = arith.constant 64 : i32
        %div3A_1216 = arith.divsi %sub3A_1157, %jit3A_1215 : i32
        %sign3A_1217 = arith.constant 0 : i32
        %sign3A_1218 = arith.cmpi sgt, %sub3A_1157, %sign3A_1217 : i32
        %sign3A_1219 = arith.extui %sign3A_1218 : i1 to i32
        %sign3A_1220 = arith.constant 0 : i32
        %sign3A_1221 = arith.cmpi slt, %sub3A_1157, %sign3A_1220 : i32
        %sign3A_1222 = arith.extui %sign3A_1221 : i1 to i32
        %sign3A_1223 = arith.subi %sign3A_1219, %sign3A_1222 : i32
        %sign3A_1224 = arith.constant 0 : i32
        %sign3A_1225 = arith.cmpi sgt, %jit3A_1215, %sign3A_1224 : i32
        %sign3A_1226 = arith.extui %sign3A_1225 : i1 to i32
        %sign3A_1227 = arith.constant 0 : i32
        %sign3A_1228 = arith.cmpi slt, %jit3A_1215, %sign3A_1227 : i32
        %sign3A_1229 = arith.extui %sign3A_1228 : i1 to i32
        %sign3A_1230 = arith.subi %sign3A_1226, %sign3A_1229 : i32
        %ne3A_1231 = arith.cmpi ne, %sign3A_1223, %sign3A_1230 : i32
        %rem3A_1232 = arith.remsi %sub3A_1157, %jit3A_1215 : i32
        %ne3A_1233 = arith.constant 0 : i32
        %ne3A_1234 = arith.cmpi ne, %rem3A_1232, %ne3A_1233 : i32
        %and3A_1235 = arith.andi %ne3A_1231, %ne3A_1234 : i1
        %sub3A_1236 = arith.constant 1 : i32
        %sub3A_1237 = arith.subi %div3A_1216, %sub3A_1236 : i32
        %select_n3A_1238 = arith.select %and3A_1235, %sub3A_1237, %div3A_1216 : i32
        %jit3A_1239 = arith.constant 64 : i32
        %eq3A_1240 = arith.constant 0 : i32
        %eq3A_1241 = arith.cmpi eq, %jit3A_1239, %eq3A_1240 : i32
        %jit3A_1242 = arith.constant 1 : i32
        %select_n3A_1243 = arith.select %eq3A_1241, %jit3A_1242, %jit3A_1239 : i32
        %rem3A_1244 = arith.remsi %sub3A_1157, %select_n3A_1243 : i32
        %ne3A_1245 = arith.constant 0 : i32
        %ne3A_1246 = arith.cmpi ne, %rem3A_1244, %ne3A_1245 : i32
        %lt3A_1247 = arith.constant 0 : i32
        %lt3A_1248 = arith.cmpi slt, %rem3A_1244, %lt3A_1247 : i32
        %lt3A_1249 = arith.constant 0 : i32
        %lt3A_1250 = arith.cmpi slt, %select_n3A_1243, %lt3A_1249 : i32
        %ne3A_1251 = arith.xori %lt3A_1248, %lt3A_1250 : i1
        %and3A_1252 = arith.andi %ne3A_1251, %ne3A_1246 : i1
        %add3A_1253 = arith.addi %rem3A_1244, %select_n3A_1243 : i32
        %select_n3A_1254 = arith.select %and3A_1252, %add3A_1253, %rem3A_1244 : i32
        %mul3A_1255 = arith.constant 2 : i32
        %mul3A_1256 = arith.muli %select_n3A_1254, %mul3A_1255 : i32
        %mul3A_1257 = arith.constant 4 : i32
        %mul3A_1258 = arith.muli %select_n3A_1238, %mul3A_1257 : i32
        %add3A_1259 = arith.constant 1 : i32
        %add3A_1260 = arith.addi %mul3A_1258, %add3A_1259 : i32
        %mul3A_1261 = arith.constant 128 : i32
        %mul3A_1262 = arith.muli %add3A_1260, %mul3A_1261 : i32
        %add3A_1263 = arith.addi %mul3A_1262, %mul3A_1256 : i32
        %mul3A_1264 = arith.constant 1024 : i32
        %mul3A_1265 = arith.muli %add3A_1263, %mul3A_1264 : i32
        %dma_wait3A_1266 = arith.constant 2048 : i32
        %dma_wait3A_1267 = tpu.memref_slice %arg8[%dma_wait3A_1266] : memref<8192xf32, #tpu.memory_space<vmem>> -> memref<2048xf32, #tpu.memory_space<vmem>>
        %dma_wait3A_1268 = tpu.memref_slice %arg4[%mul3A_1265] : memref<13631488xf32, #tpu.memory_space<hbm>> -> memref<2048xf32, #tpu.memory_space<hbm>>
        %dma_wait3A_1269 = tpu.memref_slice %arg4[%mul3A_1265] : memref<13631488xf32, #tpu.memory_space<hbm>> -> memref<2048xf32, #tpu.memory_space<hbm>>
        %dma_wait3A_1270 = arith.constant 2048 : i32
        %dma_wait3A_1271 = tpu.memref_slice %arg8[%dma_wait3A_1270] : memref<8192xf32, #tpu.memory_space<vmem>> -> memref<2048xf32, #tpu.memory_space<vmem>>
        tpu.wait_dma2 semaphore(%arg12 : memref<!tpu.dma_semaphore, #tpu.memory_space<semaphore_mem>>) src(%dma_wait3A_1271 : memref<2048xf32, #tpu.memory_space<vmem>>) dst(%dma_wait3A_1269 : memref<2048xf32, #tpu.memory_space<hbm>>)
        %jit3A_1272 = arith.constant 64 : i32
        %div3A_1273 = arith.divsi %sub3A_1157, %jit3A_1272 : i32
        %sign3A_1274 = arith.constant 0 : i32
        %sign3A_1275 = arith.cmpi sgt, %sub3A_1157, %sign3A_1274 : i32
        %sign3A_1276 = arith.extui %sign3A_1275 : i1 to i32
        %sign3A_1277 = arith.constant 0 : i32
        %sign3A_1278 = arith.cmpi slt, %sub3A_1157, %sign3A_1277 : i32
        %sign3A_1279 = arith.extui %sign3A_1278 : i1 to i32
        %sign3A_1280 = arith.subi %sign3A_1276, %sign3A_1279 : i32
        %sign3A_1281 = arith.constant 0 : i32
        %sign3A_1282 = arith.cmpi sgt, %jit3A_1272, %sign3A_1281 : i32
        %sign3A_1283 = arith.extui %sign3A_1282 : i1 to i32
        %sign3A_1284 = arith.constant 0 : i32
        %sign3A_1285 = arith.cmpi slt, %jit3A_1272, %sign3A_1284 : i32
        %sign3A_1286 = arith.extui %sign3A_1285 : i1 to i32
        %sign3A_1287 = arith.subi %sign3A_1283, %sign3A_1286 : i32
        %ne3A_1288 = arith.cmpi ne, %sign3A_1280, %sign3A_1287 : i32
        %rem3A_1289 = arith.remsi %sub3A_1157, %jit3A_1272 : i32
        %ne3A_1290 = arith.constant 0 : i32
        %ne3A_1291 = arith.cmpi ne, %rem3A_1289, %ne3A_1290 : i32
        %and3A_1292 = arith.andi %ne3A_1288, %ne3A_1291 : i1
        %sub3A_1293 = arith.constant 1 : i32
        %sub3A_1294 = arith.subi %div3A_1273, %sub3A_1293 : i32
        %select_n3A_1295 = arith.select %and3A_1292, %sub3A_1294, %div3A_1273 : i32
        %jit3A_1296 = arith.constant 64 : i32
        %eq3A_1297 = arith.constant 0 : i32
        %eq3A_1298 = arith.cmpi eq, %jit3A_1296, %eq3A_1297 : i32
        %jit3A_1299 = arith.constant 1 : i32
        %select_n3A_1300 = arith.select %eq3A_1298, %jit3A_1299, %jit3A_1296 : i32
        %rem3A_1301 = arith.remsi %sub3A_1157, %select_n3A_1300 : i32
        %ne3A_1302 = arith.constant 0 : i32
        %ne3A_1303 = arith.cmpi ne, %rem3A_1301, %ne3A_1302 : i32
        %lt3A_1304 = arith.constant 0 : i32
        %lt3A_1305 = arith.cmpi slt, %rem3A_1301, %lt3A_1304 : i32
        %lt3A_1306 = arith.constant 0 : i32
        %lt3A_1307 = arith.cmpi slt, %select_n3A_1300, %lt3A_1306 : i32
        %ne3A_1308 = arith.xori %lt3A_1305, %lt3A_1307 : i1
        %and3A_1309 = arith.andi %ne3A_1308, %ne3A_1303 : i1
        %add3A_1310 = arith.addi %rem3A_1301, %select_n3A_1300 : i32
        %select_n3A_1311 = arith.select %and3A_1309, %add3A_1310, %rem3A_1301 : i32
        %mul3A_1312 = arith.constant 2 : i32
        %mul3A_1313 = arith.muli %select_n3A_1311, %mul3A_1312 : i32
        %mul3A_1314 = arith.constant 4 : i32
        %mul3A_1315 = arith.muli %select_n3A_1295, %mul3A_1314 : i32
        %add3A_1316 = arith.constant 2 : i32
        %add3A_1317 = arith.addi %mul3A_1315, %add3A_1316 : i32
        %mul3A_1318 = arith.constant 128 : i32
        %mul3A_1319 = arith.muli %add3A_1317, %mul3A_1318 : i32
        %add3A_1320 = arith.addi %mul3A_1319, %mul3A_1313 : i32
        %mul3A_1321 = arith.constant 1024 : i32
        %mul3A_1322 = arith.muli %add3A_1320, %mul3A_1321 : i32
        %dma_wait3A_1323 = arith.constant 4096 : i32
        %dma_wait3A_1324 = tpu.memref_slice %arg8[%dma_wait3A_1323] : memref<8192xf32, #tpu.memory_space<vmem>> -> memref<2048xf32, #tpu.memory_space<vmem>>
        %dma_wait3A_1325 = tpu.memref_slice %arg4[%mul3A_1322] : memref<13631488xf32, #tpu.memory_space<hbm>> -> memref<2048xf32, #tpu.memory_space<hbm>>
        %dma_wait3A_1326 = tpu.memref_slice %arg4[%mul3A_1322] : memref<13631488xf32, #tpu.memory_space<hbm>> -> memref<2048xf32, #tpu.memory_space<hbm>>
        %dma_wait3A_1327 = arith.constant 4096 : i32
        %dma_wait3A_1328 = tpu.memref_slice %arg8[%dma_wait3A_1327] : memref<8192xf32, #tpu.memory_space<vmem>> -> memref<2048xf32, #tpu.memory_space<vmem>>
        tpu.wait_dma2 semaphore(%arg12 : memref<!tpu.dma_semaphore, #tpu.memory_space<semaphore_mem>>) src(%dma_wait3A_1328 : memref<2048xf32, #tpu.memory_space<vmem>>) dst(%dma_wait3A_1326 : memref<2048xf32, #tpu.memory_space<hbm>>)
        %jit3A_1329 = arith.constant 64 : i32
        %div3A_1330 = arith.divsi %sub3A_1157, %jit3A_1329 : i32
        %sign3A_1331 = arith.constant 0 : i32
        %sign3A_1332 = arith.cmpi sgt, %sub3A_1157, %sign3A_1331 : i32
        %sign3A_1333 = arith.extui %sign3A_1332 : i1 to i32
        %sign3A_1334 = arith.constant 0 : i32
        %sign3A_1335 = arith.cmpi slt, %sub3A_1157, %sign3A_1334 : i32
        %sign3A_1336 = arith.extui %sign3A_1335 : i1 to i32
        %sign3A_1337 = arith.subi %sign3A_1333, %sign3A_1336 : i32
        %sign3A_1338 = arith.constant 0 : i32
        %sign3A_1339 = arith.cmpi sgt, %jit3A_1329, %sign3A_1338 : i32
        %sign3A_1340 = arith.extui %sign3A_1339 : i1 to i32
        %sign3A_1341 = arith.constant 0 : i32
        %sign3A_1342 = arith.cmpi slt, %jit3A_1329, %sign3A_1341 : i32
        %sign3A_1343 = arith.extui %sign3A_1342 : i1 to i32
        %sign3A_1344 = arith.subi %sign3A_1340, %sign3A_1343 : i32
        %ne3A_1345 = arith.cmpi ne, %sign3A_1337, %sign3A_1344 : i32
        %rem3A_1346 = arith.remsi %sub3A_1157, %jit3A_1329 : i32
        %ne3A_1347 = arith.constant 0 : i32
        %ne3A_1348 = arith.cmpi ne, %rem3A_1346, %ne3A_1347 : i32
        %and3A_1349 = arith.andi %ne3A_1345, %ne3A_1348 : i1
        %sub3A_1350 = arith.constant 1 : i32
        %sub3A_1351 = arith.subi %div3A_1330, %sub3A_1350 : i32
        %select_n3A_1352 = arith.select %and3A_1349, %sub3A_1351, %div3A_1330 : i32
        %jit3A_1353 = arith.constant 64 : i32
        %eq3A_1354 = arith.constant 0 : i32
        %eq3A_1355 = arith.cmpi eq, %jit3A_1353, %eq3A_1354 : i32
        %jit3A_1356 = arith.constant 1 : i32
        %select_n3A_1357 = arith.select %eq3A_1355, %jit3A_1356, %jit3A_1353 : i32
        %rem3A_1358 = arith.remsi %sub3A_1157, %select_n3A_1357 : i32
        %ne3A_1359 = arith.constant 0 : i32
        %ne3A_1360 = arith.cmpi ne, %rem3A_1358, %ne3A_1359 : i32
        %lt3A_1361 = arith.constant 0 : i32
        %lt3A_1362 = arith.cmpi slt, %rem3A_1358, %lt3A_1361 : i32
        %lt3A_1363 = arith.constant 0 : i32
        %lt3A_1364 = arith.cmpi slt, %select_n3A_1357, %lt3A_1363 : i32
        %ne3A_1365 = arith.xori %lt3A_1362, %lt3A_1364 : i1
        %and3A_1366 = arith.andi %ne3A_1365, %ne3A_1360 : i1
        %add3A_1367 = arith.addi %rem3A_1358, %select_n3A_1357 : i32
        %select_n3A_1368 = arith.select %and3A_1366, %add3A_1367, %rem3A_1358 : i32
        %mul3A_1369 = arith.constant 2 : i32
        %mul3A_1370 = arith.muli %select_n3A_1368, %mul3A_1369 : i32
        %mul3A_1371 = arith.constant 4 : i32
        %mul3A_1372 = arith.muli %select_n3A_1352, %mul3A_1371 : i32
        %add3A_1373 = arith.constant 3 : i32
        %add3A_1374 = arith.addi %mul3A_1372, %add3A_1373 : i32
        %mul3A_1375 = arith.constant 128 : i32
        %mul3A_1376 = arith.muli %add3A_1374, %mul3A_1375 : i32
        %add3A_1377 = arith.addi %mul3A_1376, %mul3A_1370 : i32
        %mul3A_1378 = arith.constant 1024 : i32
        %mul3A_1379 = arith.muli %add3A_1377, %mul3A_1378 : i32
        %dma_wait3A_1380 = arith.constant 6144 : i32
        %dma_wait3A_1381 = tpu.memref_slice %arg8[%dma_wait3A_1380] : memref<8192xf32, #tpu.memory_space<vmem>> -> memref<2048xf32, #tpu.memory_space<vmem>>
        %dma_wait3A_1382 = tpu.memref_slice %arg4[%mul3A_1379] : memref<13631488xf32, #tpu.memory_space<hbm>> -> memref<2048xf32, #tpu.memory_space<hbm>>
        %dma_wait3A_1383 = tpu.memref_slice %arg4[%mul3A_1379] : memref<13631488xf32, #tpu.memory_space<hbm>> -> memref<2048xf32, #tpu.memory_space<hbm>>
        %dma_wait3A_1384 = arith.constant 6144 : i32
        %dma_wait3A_1385 = tpu.memref_slice %arg8[%dma_wait3A_1384] : memref<8192xf32, #tpu.memory_space<vmem>> -> memref<2048xf32, #tpu.memory_space<vmem>>
        tpu.wait_dma2 semaphore(%arg12 : memref<!tpu.dma_semaphore, #tpu.memory_space<semaphore_mem>>) src(%dma_wait3A_1385 : memref<2048xf32, #tpu.memory_space<vmem>>) dst(%dma_wait3A_1383 : memref<2048xf32, #tpu.memory_space<hbm>>)
      } else {
      }
      %scan3A_653 = arith.constant 0 : i32
      %scan3A_654 = arith.constant 0 : i32
      %scan3A_655 = arith.constant 64 : i32
      %scan3A_656 = arith.addi %scan3A_654, %scan3A_655 : i32
      %scan3A_657 = arith.constant 1 : i32
      scf.for %scan3A_1156 = %scan3A_654 to %scan3A_656 step %scan3A_657  : i32 {
        %mul3A_1157 = arith.constant 2 : i32
        %mul3A_1158 = arith.muli %scan3A_1156, %mul3A_1157 : i32
        %add3A_1159 = arith.constant 0 : i32
        %add3A_1160 = arith.addi %add3A_1159, %mul3A_1158 : i32
        %add3A_1161 = arith.constant 0 : i32
        %add3A_1162 = arith.addi %add3A_1160, %add3A_1161 : i32
        %add3A_1163 = arith.constant 0 : i32
        %add3A_1164 = arith.addi %add3A_1163, %mul3A_1158 : i32
        %add3A_1165 = arith.constant 0 : i32
        %add3A_1166 = arith.addi %add3A_1164, %add3A_1165 : i32
        %get3A = arith.index_cast %add3A_1162 : i32 to index
        %get3A_1167 = arith.constant 0 : index
        %get3A_1168 = tpu.vector_load %arg6[%get3A, %get3A_1167] {strides = array<i32>} : memref<256x128xf32, #tpu.memory_space<vmem>>, vector<16xf32>,
        %add3A_1169 = vector.broadcast %add3A_1166 : i32 to vector<16xi32>
        %add3A_1170 = arith.addi %add3A_52, %add3A_1169 : vector<16xi32>
        tpu.vector_store_idx %arg8[%add3A_1170], %get3A_1168 : memref<8192xf32, #tpu.memory_space<vmem>>[vector<16xi32>], vector<16xf32>,
        %get3A_1171 = arith.index_cast %add3A_1162 : i32 to index
        %get3A_1172 = arith.constant 16 : index
        %get3A_1173 = tpu.vector_load %arg6[%get3A_1171, %get3A_1172] {strides = array<i32>} : memref<256x128xf32, #tpu.memory_space<vmem>>, vector<16xf32>,
        %add3A_1174 = vector.broadcast %add3A_1166 : i32 to vector<16xi32>
        %add3A_1175 = arith.addi %add3A_115, %add3A_1174 : vector<16xi32>
        tpu.vector_store_idx %arg8[%add3A_1175], %get3A_1173 : memref<8192xf32, #tpu.memory_space<vmem>>[vector<16xi32>], vector<16xf32>,
        %add3A_1176 = arith.constant 128 : i32
        %add3A_1177 = arith.addi %add3A_1176, %mul3A_1158 : i32
        %add3A_1178 = arith.constant 0 : i32
        %add3A_1179 = arith.addi %add3A_1177, %add3A_1178 : i32
        %add3A_1180 = arith.constant 1024 : i32
        %add3A_1181 = arith.addi %add3A_1180, %mul3A_1158 : i32
        %add3A_1182 = arith.constant 0 : i32
        %add3A_1183 = arith.addi %add3A_1181, %add3A_1182 : i32
        %get3A_1184 = arith.index_cast %add3A_1179 : i32 to index
        %get3A_1185 = arith.constant 0 : index
        %get3A_1186 = tpu.vector_load %arg6[%get3A_1184, %get3A_1185] {strides = array<i32>} : memref<256x128xf32, #tpu.memory_space<vmem>>, vector<16xf32>,
        %add3A_1187 = vector.broadcast %add3A_1183 : i32 to vector<16xi32>
        %add3A_1188 = arith.addi %add3A_52, %add3A_1187 : vector<16xi32>
        tpu.vector_store_idx %arg8[%add3A_1188], %get3A_1186 : memref<8192xf32, #tpu.memory_space<vmem>>[vector<16xi32>], vector<16xf32>,
        %get3A_1189 = arith.index_cast %add3A_1179 : i32 to index
        %get3A_1190 = arith.constant 16 : index
        %get3A_1191 = tpu.vector_load %arg6[%get3A_1189, %get3A_1190] {strides = array<i32>} : memref<256x128xf32, #tpu.memory_space<vmem>>, vector<16xf32>,
        %add3A_1192 = vector.broadcast %add3A_1183 : i32 to vector<16xi32>
        %add3A_1193 = arith.addi %add3A_115, %add3A_1192 : vector<16xi32>
        tpu.vector_store_idx %arg8[%add3A_1193], %get3A_1191 : memref<8192xf32, #tpu.memory_space<vmem>>[vector<16xi32>], vector<16xf32>,
        %add3A_1194 = arith.constant 0 : i32
        %add3A_1195 = arith.addi %add3A_1194, %mul3A_1158 : i32
        %add3A_1196 = arith.constant 1 : i32
        %add3A_1197 = arith.addi %add3A_1195, %add3A_1196 : i32
        %add3A_1198 = arith.constant 0 : i32
        %add3A_1199 = arith.addi %add3A_1198, %mul3A_1158 : i32
        %add3A_1200 = arith.constant 1 : i32
        %add3A_1201 = arith.addi %add3A_1199, %add3A_1200 : i32
        %get3A_1202 = arith.index_cast %add3A_1197 : i32 to index
        %get3A_1203 = arith.constant 0 : index
        %get3A_1204 = tpu.vector_load %arg6[%get3A_1202, %get3A_1203] {strides = array<i32>} : memref<256x128xf32, #tpu.memory_space<vmem>>, vector<16xf32>,
        %add3A_1205 = vector.broadcast %add3A_1201 : i32 to vector<16xi32>
        %add3A_1206 = arith.addi %add3A_52, %add3A_1205 : vector<16xi32>
        tpu.vector_store_idx %arg8[%add3A_1206], %get3A_1204 : memref<8192xf32, #tpu.memory_space<vmem>>[vector<16xi32>], vector<16xf32>,
        %get3A_1207 = arith.index_cast %add3A_1197 : i32 to index
        %get3A_1208 = arith.constant 16 : index
        %get3A_1209 = tpu.vector_load %arg6[%get3A_1207, %get3A_1208] {strides = array<i32>} : memref<256x128xf32, #tpu.memory_space<vmem>>, vector<16xf32>,
        %add3A_1210 = vector.broadcast %add3A_1201 : i32 to vector<16xi32>
        %add3A_1211 = arith.addi %add3A_115, %add3A_1210 : vector<16xi32>
        tpu.vector_store_idx %arg8[%add3A_1211], %get3A_1209 : memref<8192xf32, #tpu.memory_space<vmem>>[vector<16xi32>], vector<16xf32>,
        %add3A_1212 = arith.constant 128 : i32
        %add3A_1213 = arith.addi %add3A_1212, %mul3A_1158 : i32
        %add3A_1214 = arith.constant 1 : i32
        %add3A_1215 = arith.addi %add3A_1213, %add3A_1214 : i32
        %add3A_1216 = arith.constant 1024 : i32
        %add3A_1217 = arith.addi %add3A_1216, %mul3A_1158 : i32
        %add3A_1218 = arith.constant 1 : i32
        %add3A_1219 = arith.addi %add3A_1217, %add3A_1218 : i32
        %get3A_1220 = arith.index_cast %add3A_1215 : i32 to index
        %get3A_1221 = arith.constant 0 : index
        %get3A_1222 = tpu.vector_load %arg6[%get3A_1220, %get3A_1221] {strides = array<i32>} : memref<256x128xf32, #tpu.memory_space<vmem>>, vector<16xf32>,
        %add3A_1223 = vector.broadcast %add3A_1219 : i32 to vector<16xi32>
        %add3A_1224 = arith.addi %add3A_52, %add3A_1223 : vector<16xi32>
        tpu.vector_store_idx %arg8[%add3A_1224], %get3A_1222 : memref<8192xf32, #tpu.memory_space<vmem>>[vector<16xi32>], vector<16xf32>,
        %get3A_1225 = arith.index_cast %add3A_1215 : i32 to index
        %get3A_1226 = arith.constant 16 : index
        %get3A_1227 = tpu.vector_load %arg6[%get3A_1225, %get3A_1226] {strides = array<i32>} : memref<256x128xf32, #tpu.memory_space<vmem>>, vector<16xf32>,
        %add3A_1228 = vector.broadcast %add3A_1219 : i32 to vector<16xi32>
        %add3A_1229 = arith.addi %add3A_115, %add3A_1228 : vector<16xi32>
        tpu.vector_store_idx %arg8[%add3A_1229], %get3A_1227 : memref<8192xf32, #tpu.memory_space<vmem>>[vector<16xi32>], vector<16xf32>,
      }
      %scan3A_658 = arith.constant 64 : i32
      %jit3A_659 = arith.constant 64 : i32
      %div3A_660 = arith.divsi %add3A_628, %jit3A_659 : i32
      %sign3A_661 = arith.constant 0 : i32
      %sign3A_662 = arith.cmpi sgt, %add3A_628, %sign3A_661 : i32
      %sign3A_663 = arith.extui %sign3A_662 : i1 to i32
      %sign3A_664 = arith.constant 0 : i32
      %sign3A_665 = arith.cmpi slt, %add3A_628, %sign3A_664 : i32
      %sign3A_666 = arith.extui %sign3A_665 : i1 to i32
      %sign3A_667 = arith.subi %sign3A_663, %sign3A_666 : i32
      %sign3A_668 = arith.constant 0 : i32
      %sign3A_669 = arith.cmpi sgt, %jit3A_659, %sign3A_668 : i32
      %sign3A_670 = arith.extui %sign3A_669 : i1 to i32
      %sign3A_671 = arith.constant 0 : i32
      %sign3A_672 = arith.cmpi slt, %jit3A_659, %sign3A_671 : i32
      %sign3A_673 = arith.extui %sign3A_672 : i1 to i32
      %sign3A_674 = arith.subi %sign3A_670, %sign3A_673 : i32
      %ne3A_675 = arith.cmpi ne, %sign3A_667, %sign3A_674 : i32
      %rem3A_676 = arith.remsi %add3A_628, %jit3A_659 : i32
      %ne3A_677 = arith.constant 0 : i32
      %ne3A_678 = arith.cmpi ne, %rem3A_676, %ne3A_677 : i32
      %and3A_679 = arith.andi %ne3A_675, %ne3A_678 : i1
      %sub3A_680 = arith.constant 1 : i32
      %sub3A_681 = arith.subi %div3A_660, %sub3A_680 : i32
      %select_n3A_682 = arith.select %and3A_679, %sub3A_681, %div3A_660 : i32
      %jit3A_683 = arith.constant 64 : i32
      %eq3A_684 = arith.constant 0 : i32
      %eq3A_685 = arith.cmpi eq, %jit3A_683, %eq3A_684 : i32
      %jit3A_686 = arith.constant 1 : i32
      %select_n3A_687 = arith.select %eq3A_685, %jit3A_686, %jit3A_683 : i32
      %rem3A_688 = arith.remsi %add3A_628, %select_n3A_687 : i32
      %ne3A_689 = arith.constant 0 : i32
      %ne3A_690 = arith.cmpi ne, %rem3A_688, %ne3A_689 : i32
      %lt3A_691 = arith.constant 0 : i32
      %lt3A_692 = arith.cmpi slt, %rem3A_688, %lt3A_691 : i32
      %lt3A_693 = arith.constant 0 : i32
      %lt3A_694 = arith.cmpi slt, %select_n3A_687, %lt3A_693 : i32
      %ne3A_695 = arith.xori %lt3A_692, %lt3A_694 : i1
      %and3A_696 = arith.andi %ne3A_695, %ne3A_690 : i1
      %add3A_697 = arith.addi %rem3A_688, %select_n3A_687 : i32
      %select_n3A_698 = arith.select %and3A_696, %add3A_697, %rem3A_688 : i32
      %mul3A_699 = arith.constant 2 : i32
      %mul3A_700 = arith.muli %select_n3A_698, %mul3A_699 : i32
      %mul3A_701 = arith.constant 4 : i32
      %mul3A_702 = arith.muli %select_n3A_682, %mul3A_701 : i32
      %add3A_703 = arith.constant 0 : i32
      %add3A_704 = arith.addi %mul3A_702, %add3A_703 : i32
      %mul3A_705 = arith.constant 128 : i32
      %mul3A_706 = arith.muli %add3A_704, %mul3A_705 : i32
      %add3A_707 = arith.addi %mul3A_706, %mul3A_700 : i32
      %mul3A_708 = arith.constant 1024 : i32
      %mul3A_709 = arith.muli %add3A_707, %mul3A_708 : i32
      %dma_start3A_710 = arith.constant 0 : i32
      %dma_start3A_711 = tpu.memref_slice %arg8[%dma_start3A_710] : memref<8192xf32, #tpu.memory_space<vmem>> -> memref<2048xf32, #tpu.memory_space<vmem>>
      %dma_start3A_712 = tpu.memref_slice %arg4[%mul3A_709] : memref<13631488xf32, #tpu.memory_space<hbm>> -> memref<2048xf32, #tpu.memory_space<hbm>>
      %dma_start3A_713 = tpu.memref_slice %arg4[%mul3A_709] : memref<13631488xf32, #tpu.memory_space<hbm>> -> memref<2048xf32, #tpu.memory_space<hbm>>
      %dma_start3A_714 = arith.constant 0 : i32
      %dma_start3A_715 = tpu.memref_slice %arg8[%dma_start3A_714] : memref<8192xf32, #tpu.memory_space<vmem>> -> memref<2048xf32, #tpu.memory_space<vmem>>
      tpu.enqueue_dma source(%dma_start3A_715 : memref<2048xf32, #tpu.memory_space<vmem>>) target(%dma_start3A_713 : memref<2048xf32, #tpu.memory_space<hbm>>) target_semaphore(%arg12 : memref<!tpu.dma_semaphore, #tpu.memory_space<semaphore_mem>>)
      %jit3A_716 = arith.constant 64 : i32
      %div3A_717 = arith.divsi %add3A_628, %jit3A_716 : i32
      %sign3A_718 = arith.constant 0 : i32
      %sign3A_719 = arith.cmpi sgt, %add3A_628, %sign3A_718 : i32
      %sign3A_720 = arith.extui %sign3A_719 : i1 to i32
      %sign3A_721 = arith.constant 0 : i32
      %sign3A_722 = arith.cmpi slt, %add3A_628, %sign3A_721 : i32
      %sign3A_723 = arith.extui %sign3A_722 : i1 to i32
      %sign3A_724 = arith.subi %sign3A_720, %sign3A_723 : i32
      %sign3A_725 = arith.constant 0 : i32
      %sign3A_726 = arith.cmpi sgt, %jit3A_716, %sign3A_725 : i32
      %sign3A_727 = arith.extui %sign3A_726 : i1 to i32
      %sign3A_728 = arith.constant 0 : i32
      %sign3A_729 = arith.cmpi slt, %jit3A_716, %sign3A_728 : i32
      %sign3A_730 = arith.extui %sign3A_729 : i1 to i32
      %sign3A_731 = arith.subi %sign3A_727, %sign3A_730 : i32
      %ne3A_732 = arith.cmpi ne, %sign3A_724, %sign3A_731 : i32
      %rem3A_733 = arith.remsi %add3A_628, %jit3A_716 : i32
      %ne3A_734 = arith.constant 0 : i32
      %ne3A_735 = arith.cmpi ne, %rem3A_733, %ne3A_734 : i32
      %and3A_736 = arith.andi %ne3A_732, %ne3A_735 : i1
      %sub3A_737 = arith.constant 1 : i32
      %sub3A_738 = arith.subi %div3A_717, %sub3A_737 : i32
      %select_n3A_739 = arith.select %and3A_736, %sub3A_738, %div3A_717 : i32
      %jit3A_740 = arith.constant 64 : i32
      %eq3A_741 = arith.constant 0 : i32
      %eq3A_742 = arith.cmpi eq, %jit3A_740, %eq3A_741 : i32
      %jit3A_743 = arith.constant 1 : i32
      %select_n3A_744 = arith.select %eq3A_742, %jit3A_743, %jit3A_740 : i32
      %rem3A_745 = arith.remsi %add3A_628, %select_n3A_744 : i32
      %ne3A_746 = arith.constant 0 : i32
      %ne3A_747 = arith.cmpi ne, %rem3A_745, %ne3A_746 : i32
      %lt3A_748 = arith.constant 0 : i32
      %lt3A_749 = arith.cmpi slt, %rem3A_745, %lt3A_748 : i32
      %lt3A_750 = arith.constant 0 : i32
      %lt3A_751 = arith.cmpi slt, %select_n3A_744, %lt3A_750 : i32
      %ne3A_752 = arith.xori %lt3A_749, %lt3A_751 : i1
      %and3A_753 = arith.andi %ne3A_752, %ne3A_747 : i1
      %add3A_754 = arith.addi %rem3A_745, %select_n3A_744 : i32
      %select_n3A_755 = arith.select %and3A_753, %add3A_754, %rem3A_745 : i32
      %mul3A_756 = arith.constant 2 : i32
      %mul3A_757 = arith.muli %select_n3A_755, %mul3A_756 : i32
      %mul3A_758 = arith.constant 4 : i32
      %mul3A_759 = arith.muli %select_n3A_739, %mul3A_758 : i32
      %add3A_760 = arith.constant 1 : i32
      %add3A_761 = arith.addi %mul3A_759, %add3A_760 : i32
      %mul3A_762 = arith.constant 128 : i32
      %mul3A_763 = arith.muli %add3A_761, %mul3A_762 : i32
      %add3A_764 = arith.addi %mul3A_763, %mul3A_757 : i32
      %mul3A_765 = arith.constant 1024 : i32
      %mul3A_766 = arith.muli %add3A_764, %mul3A_765 : i32
      %dma_start3A_767 = arith.constant 2048 : i32
      %dma_start3A_768 = tpu.memref_slice %arg8[%dma_start3A_767] : memref<8192xf32, #tpu.memory_space<vmem>> -> memref<2048xf32, #tpu.memory_space<vmem>>
      %dma_start3A_769 = tpu.memref_slice %arg4[%mul3A_766] : memref<13631488xf32, #tpu.memory_space<hbm>> -> memref<2048xf32, #tpu.memory_space<hbm>>
      %dma_start3A_770 = tpu.memref_slice %arg4[%mul3A_766] : memref<13631488xf32, #tpu.memory_space<hbm>> -> memref<2048xf32, #tpu.memory_space<hbm>>
      %dma_start3A_771 = arith.constant 2048 : i32
      %dma_start3A_772 = tpu.memref_slice %arg8[%dma_start3A_771] : memref<8192xf32, #tpu.memory_space<vmem>> -> memref<2048xf32, #tpu.memory_space<vmem>>
      tpu.enqueue_dma source(%dma_start3A_772 : memref<2048xf32, #tpu.memory_space<vmem>>) target(%dma_start3A_770 : memref<2048xf32, #tpu.memory_space<hbm>>) target_semaphore(%arg12 : memref<!tpu.dma_semaphore, #tpu.memory_space<semaphore_mem>>)
      %jit3A_773 = arith.constant 64 : i32
      %div3A_774 = arith.divsi %add3A_628, %jit3A_773 : i32
      %sign3A_775 = arith.constant 0 : i32
      %sign3A_776 = arith.cmpi sgt, %add3A_628, %sign3A_775 : i32
      %sign3A_777 = arith.extui %sign3A_776 : i1 to i32
      %sign3A_778 = arith.constant 0 : i32
      %sign3A_779 = arith.cmpi slt, %add3A_628, %sign3A_778 : i32
      %sign3A_780 = arith.extui %sign3A_779 : i1 to i32
      %sign3A_781 = arith.subi %sign3A_777, %sign3A_780 : i32
      %sign3A_782 = arith.constant 0 : i32
      %sign3A_783 = arith.cmpi sgt, %jit3A_773, %sign3A_782 : i32
      %sign3A_784 = arith.extui %sign3A_783 : i1 to i32
      %sign3A_785 = arith.constant 0 : i32
      %sign3A_786 = arith.cmpi slt, %jit3A_773, %sign3A_785 : i32
      %sign3A_787 = arith.extui %sign3A_786 : i1 to i32
      %sign3A_788 = arith.subi %sign3A_784, %sign3A_787 : i32
      %ne3A_789 = arith.cmpi ne, %sign3A_781, %sign3A_788 : i32
      %rem3A_790 = arith.remsi %add3A_628, %jit3A_773 : i32
      %ne3A_791 = arith.constant 0 : i32
      %ne3A_792 = arith.cmpi ne, %rem3A_790, %ne3A_791 : i32
      %and3A_793 = arith.andi %ne3A_789, %ne3A_792 : i1
      %sub3A_794 = arith.constant 1 : i32
      %sub3A_795 = arith.subi %div3A_774, %sub3A_794 : i32
      %select_n3A_796 = arith.select %and3A_793, %sub3A_795, %div3A_774 : i32
      %jit3A_797 = arith.constant 64 : i32
      %eq3A_798 = arith.constant 0 : i32
      %eq3A_799 = arith.cmpi eq, %jit3A_797, %eq3A_798 : i32
      %jit3A_800 = arith.constant 1 : i32
      %select_n3A_801 = arith.select %eq3A_799, %jit3A_800, %jit3A_797 : i32
      %rem3A_802 = arith.remsi %add3A_628, %select_n3A_801 : i32
      %ne3A_803 = arith.constant 0 : i32
      %ne3A_804 = arith.cmpi ne, %rem3A_802, %ne3A_803 : i32
      %lt3A_805 = arith.constant 0 : i32
      %lt3A_806 = arith.cmpi slt, %rem3A_802, %lt3A_805 : i32
      %lt3A_807 = arith.constant 0 : i32
      %lt3A_808 = arith.cmpi slt, %select_n3A_801, %lt3A_807 : i32
      %ne3A_809 = arith.xori %lt3A_806, %lt3A_808 : i1
      %and3A_810 = arith.andi %ne3A_809, %ne3A_804 : i1
      %add3A_811 = arith.addi %rem3A_802, %select_n3A_801 : i32
      %select_n3A_812 = arith.select %and3A_810, %add3A_811, %rem3A_802 : i32
      %mul3A_813 = arith.constant 2 : i32
      %mul3A_814 = arith.muli %select_n3A_812, %mul3A_813 : i32
      %mul3A_815 = arith.constant 4 : i32
      %mul3A_816 = arith.muli %select_n3A_796, %mul3A_815 : i32
      %add3A_817 = arith.constant 2 : i32
      %add3A_818 = arith.addi %mul3A_816, %add3A_817 : i32
      %mul3A_819 = arith.constant 128 : i32
      %mul3A_820 = arith.muli %add3A_818, %mul3A_819 : i32
      %add3A_821 = arith.addi %mul3A_820, %mul3A_814 : i32
      %mul3A_822 = arith.constant 1024 : i32
      %mul3A_823 = arith.muli %add3A_821, %mul3A_822 : i32
      %dma_start3A_824 = arith.constant 4096 : i32
      %dma_start3A_825 = tpu.memref_slice %arg8[%dma_start3A_824] : memref<8192xf32, #tpu.memory_space<vmem>> -> memref<2048xf32, #tpu.memory_space<vmem>>
      %dma_start3A_826 = tpu.memref_slice %arg4[%mul3A_823] : memref<13631488xf32, #tpu.memory_space<hbm>> -> memref<2048xf32, #tpu.memory_space<hbm>>
      %dma_start3A_827 = tpu.memref_slice %arg4[%mul3A_823] : memref<13631488xf32, #tpu.memory_space<hbm>> -> memref<2048xf32, #tpu.memory_space<hbm>>
      %dma_start3A_828 = arith.constant 4096 : i32
      %dma_start3A_829 = tpu.memref_slice %arg8[%dma_start3A_828] : memref<8192xf32, #tpu.memory_space<vmem>> -> memref<2048xf32, #tpu.memory_space<vmem>>
      tpu.enqueue_dma source(%dma_start3A_829 : memref<2048xf32, #tpu.memory_space<vmem>>) target(%dma_start3A_827 : memref<2048xf32, #tpu.memory_space<hbm>>) target_semaphore(%arg12 : memref<!tpu.dma_semaphore, #tpu.memory_space<semaphore_mem>>)
      %jit3A_830 = arith.constant 64 : i32
      %div3A_831 = arith.divsi %add3A_628, %jit3A_830 : i32
      %sign3A_832 = arith.constant 0 : i32
      %sign3A_833 = arith.cmpi sgt, %add3A_628, %sign3A_832 : i32
      %sign3A_834 = arith.extui %sign3A_833 : i1 to i32
      %sign3A_835 = arith.constant 0 : i32
      %sign3A_836 = arith.cmpi slt, %add3A_628, %sign3A_835 : i32
      %sign3A_837 = arith.extui %sign3A_836 : i1 to i32
      %sign3A_838 = arith.subi %sign3A_834, %sign3A_837 : i32
      %sign3A_839 = arith.constant 0 : i32
      %sign3A_840 = arith.cmpi sgt, %jit3A_830, %sign3A_839 : i32
      %sign3A_841 = arith.extui %sign3A_840 : i1 to i32
      %sign3A_842 = arith.constant 0 : i32
      %sign3A_843 = arith.cmpi slt, %jit3A_830, %sign3A_842 : i32
      %sign3A_844 = arith.extui %sign3A_843 : i1 to i32
      %sign3A_845 = arith.subi %sign3A_841, %sign3A_844 : i32
      %ne3A_846 = arith.cmpi ne, %sign3A_838, %sign3A_845 : i32
      %rem3A_847 = arith.remsi %add3A_628, %jit3A_830 : i32
      %ne3A_848 = arith.constant 0 : i32
      %ne3A_849 = arith.cmpi ne, %rem3A_847, %ne3A_848 : i32
      %and3A_850 = arith.andi %ne3A_846, %ne3A_849 : i1
      %sub3A_851 = arith.constant 1 : i32
      %sub3A_852 = arith.subi %div3A_831, %sub3A_851 : i32
      %select_n3A_853 = arith.select %and3A_850, %sub3A_852, %div3A_831 : i32
      %jit3A_854 = arith.constant 64 : i32
      %eq3A_855 = arith.constant 0 : i32
      %eq3A_856 = arith.cmpi eq, %jit3A_854, %eq3A_855 : i32
      %jit3A_857 = arith.constant 1 : i32
      %select_n3A_858 = arith.select %eq3A_856, %jit3A_857, %jit3A_854 : i32
      %rem3A_859 = arith.remsi %add3A_628, %select_n3A_858 : i32
      %ne3A_860 = arith.constant 0 : i32
      %ne3A_861 = arith.cmpi ne, %rem3A_859, %ne3A_860 : i32
      %lt3A_862 = arith.constant 0 : i32
      %lt3A_863 = arith.cmpi slt, %rem3A_859, %lt3A_862 : i32
      %lt3A_864 = arith.constant 0 : i32
      %lt3A_865 = arith.cmpi slt, %select_n3A_858, %lt3A_864 : i32
      %ne3A_866 = arith.xori %lt3A_863, %lt3A_865 : i1
      %and3A_867 = arith.andi %ne3A_866, %ne3A_861 : i1
      %add3A_868 = arith.addi %rem3A_859, %select_n3A_858 : i32
      %select_n3A_869 = arith.select %and3A_867, %add3A_868, %rem3A_859 : i32
      %mul3A_870 = arith.constant 2 : i32
      %mul3A_871 = arith.muli %select_n3A_869, %mul3A_870 : i32
      %mul3A_872 = arith.constant 4 : i32
      %mul3A_873 = arith.muli %select_n3A_853, %mul3A_872 : i32
      %add3A_874 = arith.constant 3 : i32
      %add3A_875 = arith.addi %mul3A_873, %add3A_874 : i32
      %mul3A_876 = arith.constant 128 : i32
      %mul3A_877 = arith.muli %add3A_875, %mul3A_876 : i32
      %add3A_878 = arith.addi %mul3A_877, %mul3A_871 : i32
      %mul3A_879 = arith.constant 1024 : i32
      %mul3A_880 = arith.muli %add3A_878, %mul3A_879 : i32
      %dma_start3A_881 = arith.constant 6144 : i32
      %dma_start3A_882 = tpu.memref_slice %arg8[%dma_start3A_881] : memref<8192xf32, #tpu.memory_space<vmem>> -> memref<2048xf32, #tpu.memory_space<vmem>>
      %dma_start3A_883 = tpu.memref_slice %arg4[%mul3A_880] : memref<13631488xf32, #tpu.memory_space<hbm>> -> memref<2048xf32, #tpu.memory_space<hbm>>
      %dma_start3A_884 = tpu.memref_slice %arg4[%mul3A_880] : memref<13631488xf32, #tpu.memory_space<hbm>> -> memref<2048xf32, #tpu.memory_space<hbm>>
      %dma_start3A_885 = arith.constant 6144 : i32
      %dma_start3A_886 = tpu.memref_slice %arg8[%dma_start3A_885] : memref<8192xf32, #tpu.memory_space<vmem>> -> memref<2048xf32, #tpu.memory_space<vmem>>
      tpu.enqueue_dma source(%dma_start3A_886 : memref<2048xf32, #tpu.memory_space<vmem>>) target(%dma_start3A_884 : memref<2048xf32, #tpu.memory_space<hbm>>) target_semaphore(%arg12 : memref<!tpu.dma_semaphore, #tpu.memory_space<semaphore_mem>>)
      %lt3A_887 = arith.constant 25 : i32
      %lt3A_888 = arith.cmpi slt, %scan3A_623, %lt3A_887 : i32
      %convert_element_type3A_889 = arith.extui %lt3A_888 : i1 to i32
      %cond3A_890 = arith.constant 0 : i32
      %cond3A_891 = arith.cmpi ne, %convert_element_type3A_889, %cond3A_890 : i32
      scf.if %cond3A_891 {
        %add3A_1156 = arith.constant 2 : i32
        %add3A_1157 = arith.addi %mul3A_625, %add3A_1156 : i32
        %mul3A_1158 = arith.constant 2 : i32
        %mul3A_1159 = arith.muli %add3A_1157, %mul3A_1158 : i32
        %add3A_1160 = arith.constant 0 : i32
        %add3A_1161 = arith.addi %mul3A_1159, %add3A_1160 : i32
        %dma_start3A_1162 = arith.constant 0 : i32
        %dma_start3A_1163 = arith.constant 0 : i32
        %dma_start3A_1164 = tpu.memref_slice %arg6[%dma_start3A_1162, %dma_start3A_1163] : memref<256x128xf32, #tpu.memory_space<vmem>> -> memref<128x128xf32, #tpu.memory_space<vmem>>
        %dma_start3A_1165 = arith.constant 0 : i32
        %dma_start3A_1166 = tpu.memref_slice %arg5[%add3A_1161, %dma_start3A_1165] : memref<104x128xi32, #tpu.memory_space<vmem>> -> memref<1x128xi32, #tpu.memory_space<vmem>>
        %dma_start3A_1167 = tpu.memref_squeeze %dma_start3A_1166 : memref<1x128xi32, #tpu.memory_space<vmem>> -> memref<128xi32, #tpu.memory_space<vmem>>
        %dma_start3A_1168 = arith.constant 0 : i32
        %dma_start3A_1169 = arith.constant 0 : i32
        %dma_start3A_1170 = tpu.memref_slice %arg3[%dma_start3A_1168, %dma_start3A_1169] : memref<1000000x128xf32, #tpu.memory_space<hbm>> -> memref<1000000x128xf32, #tpu.memory_space<hbm>>
        tpu.enqueue_indirect_dma source(%dma_start3A_1170 : memref<1000000x128xf32, #tpu.memory_space<hbm>>) target(%dma_start3A_1164 : memref<128x128xf32, #tpu.memory_space<vmem>>) offsets(%dma_start3A_1167 : memref<128xi32, #tpu.memory_space<vmem>>) semaphore(%arg10 : memref<!tpu.dma_semaphore, #tpu.memory_space<semaphore_mem>>)
        %mul3A_1171 = arith.constant 2 : i32
        %mul3A_1172 = arith.muli %add3A_1157, %mul3A_1171 : i32
        %add3A_1173 = arith.constant 1 : i32
        %add3A_1174 = arith.addi %mul3A_1172, %add3A_1173 : i32
        %dma_start3A_1175 = arith.constant 128 : i32
        %dma_start3A_1176 = arith.constant 0 : i32
        %dma_start3A_1177 = tpu.memref_slice %arg6[%dma_start3A_1175, %dma_start3A_1176] : memref<256x128xf32, #tpu.memory_space<vmem>> -> memref<128x128xf32, #tpu.memory_space<vmem>>
        %dma_start3A_1178 = arith.constant 0 : i32
        %dma_start3A_1179 = tpu.memref_slice %arg5[%add3A_1174, %dma_start3A_1178] : memref<104x128xi32, #tpu.memory_space<vmem>> -> memref<1x128xi32, #tpu.memory_space<vmem>>
        %dma_start3A_1180 = tpu.memref_squeeze %dma_start3A_1179 : memref<1x128xi32, #tpu.memory_space<vmem>> -> memref<128xi32, #tpu.memory_space<vmem>>
        %dma_start3A_1181 = arith.constant 0 : i32
        %dma_start3A_1182 = arith.constant 0 : i32
        %dma_start3A_1183 = tpu.memref_slice %arg3[%dma_start3A_1181, %dma_start3A_1182] : memref<1000000x128xf32, #tpu.memory_space<hbm>> -> memref<1000000x128xf32, #tpu.memory_space<hbm>>
        tpu.enqueue_indirect_dma source(%dma_start3A_1183 : memref<1000000x128xf32, #tpu.memory_space<hbm>>) target(%dma_start3A_1177 : memref<128x128xf32, #tpu.memory_space<vmem>>) offsets(%dma_start3A_1180 : memref<128xi32, #tpu.memory_space<vmem>>) semaphore(%arg10 : memref<!tpu.dma_semaphore, #tpu.memory_space<semaphore_mem>>)
      } else {
      }
      %dma_wait3A_892 = arith.constant 0 : i32
      %dma_wait3A_893 = arith.constant 0 : i32
      %dma_wait3A_894 = arith.constant 0 : i32
      %dma_wait3A_895 = tpu.memref_slice %arg7[%dma_wait3A_893, %dma_wait3A_894] : memref<256x128xf32, #tpu.memory_space<vmem>> -> memref<128x128xf32, #tpu.memory_space<vmem>>
      %dma_wait3A_896 = arith.constant 0 : i32
      %dma_wait3A_897 = tpu.memref_slice %arg5[%dma_wait3A_892, %dma_wait3A_896] : memref<104x128xi32, #tpu.memory_space<vmem>> -> memref<1x128xi32, #tpu.memory_space<vmem>>
      %dma_wait3A_898 = tpu.memref_squeeze %dma_wait3A_897 : memref<1x128xi32, #tpu.memory_space<vmem>> -> memref<128xi32, #tpu.memory_space<vmem>>
      %dma_wait3A_899 = arith.constant 0 : i32
      %dma_wait3A_900 = arith.constant 0 : i32
      %dma_wait3A_901 = tpu.memref_slice %arg3[%dma_wait3A_899, %dma_wait3A_900] : memref<1000000x128xf32, #tpu.memory_space<hbm>> -> memref<1000000x128xf32, #tpu.memory_space<hbm>>
      tpu.wait_indirect_dma semaphore(%arg11 : memref<!tpu.dma_semaphore, #tpu.memory_space<semaphore_mem>>) src(%dma_wait3A_901 : memref<1000000x128xf32, #tpu.memory_space<hbm>>) dst(%dma_wait3A_895 : memref<128x128xf32, #tpu.memory_space<vmem>>)
      %dma_wait3A_902 = arith.constant 0 : i32
      %dma_wait3A_903 = arith.constant 128 : i32
      %dma_wait3A_904 = arith.constant 0 : i32
      %dma_wait3A_905 = tpu.memref_slice %arg7[%dma_wait3A_903, %dma_wait3A_904] : memref<256x128xf32, #tpu.memory_space<vmem>> -> memref<128x128xf32, #tpu.memory_space<vmem>>
      %dma_wait3A_906 = arith.constant 0 : i32
      %dma_wait3A_907 = tpu.memref_slice %arg5[%dma_wait3A_902, %dma_wait3A_906] : memref<104x128xi32, #tpu.memory_space<vmem>> -> memref<1x128xi32, #tpu.memory_space<vmem>>
      %dma_wait3A_908 = tpu.memref_squeeze %dma_wait3A_907 : memref<1x128xi32, #tpu.memory_space<vmem>> -> memref<128xi32, #tpu.memory_space<vmem>>
      %dma_wait3A_909 = arith.constant 0 : i32
      %dma_wait3A_910 = arith.constant 0 : i32
      %dma_wait3A_911 = tpu.memref_slice %arg3[%dma_wait3A_909, %dma_wait3A_910] : memref<1000000x128xf32, #tpu.memory_space<hbm>> -> memref<1000000x128xf32, #tpu.memory_space<hbm>>
      tpu.wait_indirect_dma semaphore(%arg11 : memref<!tpu.dma_semaphore, #tpu.memory_space<semaphore_mem>>) src(%dma_wait3A_911 : memref<1000000x128xf32, #tpu.memory_space<hbm>>) dst(%dma_wait3A_905 : memref<128x128xf32, #tpu.memory_space<vmem>>)
      %gt3A_912 = arith.constant 0 : i32
      %gt3A_913 = arith.cmpi sgt, %scan3A_623, %gt3A_912 : i32
      %convert_element_type3A_914 = arith.extui %gt3A_913 : i1 to i32
      %cond3A_915 = arith.constant 0 : i32
      %cond3A_916 = arith.cmpi ne, %convert_element_type3A_914, %cond3A_915 : i32
      scf.if %cond3A_916 {
        %sub3A_1156 = arith.constant 2 : i32
        %sub3A_1157 = arith.subi %add3A_630, %sub3A_1156 : i32
        %jit3A_1158 = arith.constant 64 : i32
        %div3A_1159 = arith.divsi %sub3A_1157, %jit3A_1158 : i32
        %sign3A_1160 = arith.constant 0 : i32
        %sign3A_1161 = arith.cmpi sgt, %sub3A_1157, %sign3A_1160 : i32
        %sign3A_1162 = arith.extui %sign3A_1161 : i1 to i32
        %sign3A_1163 = arith.constant 0 : i32
        %sign3A_1164 = arith.cmpi slt, %sub3A_1157, %sign3A_1163 : i32
        %sign3A_1165 = arith.extui %sign3A_1164 : i1 to i32
        %sign3A_1166 = arith.subi %sign3A_1162, %sign3A_1165 : i32
        %sign3A_1167 = arith.constant 0 : i32
        %sign3A_1168 = arith.cmpi sgt, %jit3A_1158, %sign3A_1167 : i32
        %sign3A_1169 = arith.extui %sign3A_1168 : i1 to i32
        %sign3A_1170 = arith.constant 0 : i32
        %sign3A_1171 = arith.cmpi slt, %jit3A_1158, %sign3A_1170 : i32
        %sign3A_1172 = arith.extui %sign3A_1171 : i1 to i32
        %sign3A_1173 = arith.subi %sign3A_1169, %sign3A_1172 : i32
        %ne3A_1174 = arith.cmpi ne, %sign3A_1166, %sign3A_1173 : i32
        %rem3A_1175 = arith.remsi %sub3A_1157, %jit3A_1158 : i32
        %ne3A_1176 = arith.constant 0 : i32
        %ne3A_1177 = arith.cmpi ne, %rem3A_1175, %ne3A_1176 : i32
        %and3A_1178 = arith.andi %ne3A_1174, %ne3A_1177 : i1
        %sub3A_1179 = arith.constant 1 : i32
        %sub3A_1180 = arith.subi %div3A_1159, %sub3A_1179 : i32
        %select_n3A_1181 = arith.select %and3A_1178, %sub3A_1180, %div3A_1159 : i32
        %jit3A_1182 = arith.constant 64 : i32
        %eq3A_1183 = arith.constant 0 : i32
        %eq3A_1184 = arith.cmpi eq, %jit3A_1182, %eq3A_1183 : i32
        %jit3A_1185 = arith.constant 1 : i32
        %select_n3A_1186 = arith.select %eq3A_1184, %jit3A_1185, %jit3A_1182 : i32
        %rem3A_1187 = arith.remsi %sub3A_1157, %select_n3A_1186 : i32
        %ne3A_1188 = arith.constant 0 : i32
        %ne3A_1189 = arith.cmpi ne, %rem3A_1187, %ne3A_1188 : i32
        %lt3A_1190 = arith.constant 0 : i32
        %lt3A_1191 = arith.cmpi slt, %rem3A_1187, %lt3A_1190 : i32
        %lt3A_1192 = arith.constant 0 : i32
        %lt3A_1193 = arith.cmpi slt, %select_n3A_1186, %lt3A_1192 : i32
        %ne3A_1194 = arith.xori %lt3A_1191, %lt3A_1193 : i1
        %and3A_1195 = arith.andi %ne3A_1194, %ne3A_1189 : i1
        %add3A_1196 = arith.addi %rem3A_1187, %select_n3A_1186 : i32
        %select_n3A_1197 = arith.select %and3A_1195, %add3A_1196, %rem3A_1187 : i32
        %mul3A_1198 = arith.constant 2 : i32
        %mul3A_1199 = arith.muli %select_n3A_1197, %mul3A_1198 : i32
        %mul3A_1200 = arith.constant 4 : i32
        %mul3A_1201 = arith.muli %select_n3A_1181, %mul3A_1200 : i32
        %add3A_1202 = arith.constant 0 : i32
        %add3A_1203 = arith.addi %mul3A_1201, %add3A_1202 : i32
        %mul3A_1204 = arith.constant 128 : i32
        %mul3A_1205 = arith.muli %add3A_1203, %mul3A_1204 : i32
        %add3A_1206 = arith.addi %mul3A_1205, %mul3A_1199 : i32
        %mul3A_1207 = arith.constant 1024 : i32
        %mul3A_1208 = arith.muli %add3A_1206, %mul3A_1207 : i32
        %dma_wait3A_1209 = arith.constant 0 : i32
        %dma_wait3A_1210 = tpu.memref_slice %arg9[%dma_wait3A_1209] : memref<8192xf32, #tpu.memory_space<vmem>> -> memref<2048xf32, #tpu.memory_space<vmem>>
        %dma_wait3A_1211 = tpu.memref_slice %arg4[%mul3A_1208] : memref<13631488xf32, #tpu.memory_space<hbm>> -> memref<2048xf32, #tpu.memory_space<hbm>>
        %dma_wait3A_1212 = tpu.memref_slice %arg4[%mul3A_1208] : memref<13631488xf32, #tpu.memory_space<hbm>> -> memref<2048xf32, #tpu.memory_space<hbm>>
        %dma_wait3A_1213 = arith.constant 0 : i32
        %dma_wait3A_1214 = tpu.memref_slice %arg9[%dma_wait3A_1213] : memref<8192xf32, #tpu.memory_space<vmem>> -> memref<2048xf32, #tpu.memory_space<vmem>>
        tpu.wait_dma2 semaphore(%arg13 : memref<!tpu.dma_semaphore, #tpu.memory_space<semaphore_mem>>) src(%dma_wait3A_1214 : memref<2048xf32, #tpu.memory_space<vmem>>) dst(%dma_wait3A_1212 : memref<2048xf32, #tpu.memory_space<hbm>>)
        %jit3A_1215 = arith.constant 64 : i32
        %div3A_1216 = arith.divsi %sub3A_1157, %jit3A_1215 : i32
        %sign3A_1217 = arith.constant 0 : i32
        %sign3A_1218 = arith.cmpi sgt, %sub3A_1157, %sign3A_1217 : i32
        %sign3A_1219 = arith.extui %sign3A_1218 : i1 to i32
        %sign3A_1220 = arith.constant 0 : i32
        %sign3A_1221 = arith.cmpi slt, %sub3A_1157, %sign3A_1220 : i32
        %sign3A_1222 = arith.extui %sign3A_1221 : i1 to i32
        %sign3A_1223 = arith.subi %sign3A_1219, %sign3A_1222 : i32
        %sign3A_1224 = arith.constant 0 : i32
        %sign3A_1225 = arith.cmpi sgt, %jit3A_1215, %sign3A_1224 : i32
        %sign3A_1226 = arith.extui %sign3A_1225 : i1 to i32
        %sign3A_1227 = arith.constant 0 : i32
        %sign3A_1228 = arith.cmpi slt, %jit3A_1215, %sign3A_1227 : i32
        %sign3A_1229 = arith.extui %sign3A_1228 : i1 to i32
        %sign3A_1230 = arith.subi %sign3A_1226, %sign3A_1229 : i32
        %ne3A_1231 = arith.cmpi ne, %sign3A_1223, %sign3A_1230 : i32
        %rem3A_1232 = arith.remsi %sub3A_1157, %jit3A_1215 : i32
        %ne3A_1233 = arith.constant 0 : i32
        %ne3A_1234 = arith.cmpi ne, %rem3A_1232, %ne3A_1233 : i32
        %and3A_1235 = arith.andi %ne3A_1231, %ne3A_1234 : i1
        %sub3A_1236 = arith.constant 1 : i32
        %sub3A_1237 = arith.subi %div3A_1216, %sub3A_1236 : i32
        %select_n3A_1238 = arith.select %and3A_1235, %sub3A_1237, %div3A_1216 : i32
        %jit3A_1239 = arith.constant 64 : i32
        %eq3A_1240 = arith.constant 0 : i32
        %eq3A_1241 = arith.cmpi eq, %jit3A_1239, %eq3A_1240 : i32
        %jit3A_1242 = arith.constant 1 : i32
        %select_n3A_1243 = arith.select %eq3A_1241, %jit3A_1242, %jit3A_1239 : i32
        %rem3A_1244 = arith.remsi %sub3A_1157, %select_n3A_1243 : i32
        %ne3A_1245 = arith.constant 0 : i32
        %ne3A_1246 = arith.cmpi ne, %rem3A_1244, %ne3A_1245 : i32
        %lt3A_1247 = arith.constant 0 : i32
        %lt3A_1248 = arith.cmpi slt, %rem3A_1244, %lt3A_1247 : i32
        %lt3A_1249 = arith.constant 0 : i32
        %lt3A_1250 = arith.cmpi slt, %select_n3A_1243, %lt3A_1249 : i32
        %ne3A_1251 = arith.xori %lt3A_1248, %lt3A_1250 : i1
        %and3A_1252 = arith.andi %ne3A_1251, %ne3A_1246 : i1
        %add3A_1253 = arith.addi %rem3A_1244, %select_n3A_1243 : i32
        %select_n3A_1254 = arith.select %and3A_1252, %add3A_1253, %rem3A_1244 : i32
        %mul3A_1255 = arith.constant 2 : i32
        %mul3A_1256 = arith.muli %select_n3A_1254, %mul3A_1255 : i32
        %mul3A_1257 = arith.constant 4 : i32
        %mul3A_1258 = arith.muli %select_n3A_1238, %mul3A_1257 : i32
        %add3A_1259 = arith.constant 1 : i32
        %add3A_1260 = arith.addi %mul3A_1258, %add3A_1259 : i32
        %mul3A_1261 = arith.constant 128 : i32
        %mul3A_1262 = arith.muli %add3A_1260, %mul3A_1261 : i32
        %add3A_1263 = arith.addi %mul3A_1262, %mul3A_1256 : i32
        %mul3A_1264 = arith.constant 1024 : i32
        %mul3A_1265 = arith.muli %add3A_1263, %mul3A_1264 : i32
        %dma_wait3A_1266 = arith.constant 2048 : i32
        %dma_wait3A_1267 = tpu.memref_slice %arg9[%dma_wait3A_1266] : memref<8192xf32, #tpu.memory_space<vmem>> -> memref<2048xf32, #tpu.memory_space<vmem>>
        %dma_wait3A_1268 = tpu.memref_slice %arg4[%mul3A_1265] : memref<13631488xf32, #tpu.memory_space<hbm>> -> memref<2048xf32, #tpu.memory_space<hbm>>
        %dma_wait3A_1269 = tpu.memref_slice %arg4[%mul3A_1265] : memref<13631488xf32, #tpu.memory_space<hbm>> -> memref<2048xf32, #tpu.memory_space<hbm>>
        %dma_wait3A_1270 = arith.constant 2048 : i32
        %dma_wait3A_1271 = tpu.memref_slice %arg9[%dma_wait3A_1270] : memref<8192xf32, #tpu.memory_space<vmem>> -> memref<2048xf32, #tpu.memory_space<vmem>>
        tpu.wait_dma2 semaphore(%arg13 : memref<!tpu.dma_semaphore, #tpu.memory_space<semaphore_mem>>) src(%dma_wait3A_1271 : memref<2048xf32, #tpu.memory_space<vmem>>) dst(%dma_wait3A_1269 : memref<2048xf32, #tpu.memory_space<hbm>>)
        %jit3A_1272 = arith.constant 64 : i32
        %div3A_1273 = arith.divsi %sub3A_1157, %jit3A_1272 : i32
        %sign3A_1274 = arith.constant 0 : i32
        %sign3A_1275 = arith.cmpi sgt, %sub3A_1157, %sign3A_1274 : i32
        %sign3A_1276 = arith.extui %sign3A_1275 : i1 to i32
        %sign3A_1277 = arith.constant 0 : i32
        %sign3A_1278 = arith.cmpi slt, %sub3A_1157, %sign3A_1277 : i32
        %sign3A_1279 = arith.extui %sign3A_1278 : i1 to i32
        %sign3A_1280 = arith.subi %sign3A_1276, %sign3A_1279 : i32
        %sign3A_1281 = arith.constant 0 : i32
        %sign3A_1282 = arith.cmpi sgt, %jit3A_1272, %sign3A_1281 : i32
        %sign3A_1283 = arith.extui %sign3A_1282 : i1 to i32
        %sign3A_1284 = arith.constant 0 : i32
        %sign3A_1285 = arith.cmpi slt, %jit3A_1272, %sign3A_1284 : i32
        %sign3A_1286 = arith.extui %sign3A_1285 : i1 to i32
        %sign3A_1287 = arith.subi %sign3A_1283, %sign3A_1286 : i32
        %ne3A_1288 = arith.cmpi ne, %sign3A_1280, %sign3A_1287 : i32
        %rem3A_1289 = arith.remsi %sub3A_1157, %jit3A_1272 : i32
        %ne3A_1290 = arith.constant 0 : i32
        %ne3A_1291 = arith.cmpi ne, %rem3A_1289, %ne3A_1290 : i32
        %and3A_1292 = arith.andi %ne3A_1288, %ne3A_1291 : i1
        %sub3A_1293 = arith.constant 1 : i32
        %sub3A_1294 = arith.subi %div3A_1273, %sub3A_1293 : i32
        %select_n3A_1295 = arith.select %and3A_1292, %sub3A_1294, %div3A_1273 : i32
        %jit3A_1296 = arith.constant 64 : i32
        %eq3A_1297 = arith.constant 0 : i32
        %eq3A_1298 = arith.cmpi eq, %jit3A_1296, %eq3A_1297 : i32
        %jit3A_1299 = arith.constant 1 : i32
        %select_n3A_1300 = arith.select %eq3A_1298, %jit3A_1299, %jit3A_1296 : i32
        %rem3A_1301 = arith.remsi %sub3A_1157, %select_n3A_1300 : i32
        %ne3A_1302 = arith.constant 0 : i32
        %ne3A_1303 = arith.cmpi ne, %rem3A_1301, %ne3A_1302 : i32
        %lt3A_1304 = arith.constant 0 : i32
        %lt3A_1305 = arith.cmpi slt, %rem3A_1301, %lt3A_1304 : i32
        %lt3A_1306 = arith.constant 0 : i32
        %lt3A_1307 = arith.cmpi slt, %select_n3A_1300, %lt3A_1306 : i32
        %ne3A_1308 = arith.xori %lt3A_1305, %lt3A_1307 : i1
        %and3A_1309 = arith.andi %ne3A_1308, %ne3A_1303 : i1
        %add3A_1310 = arith.addi %rem3A_1301, %select_n3A_1300 : i32
        %select_n3A_1311 = arith.select %and3A_1309, %add3A_1310, %rem3A_1301 : i32
        %mul3A_1312 = arith.constant 2 : i32
        %mul3A_1313 = arith.muli %select_n3A_1311, %mul3A_1312 : i32
        %mul3A_1314 = arith.constant 4 : i32
        %mul3A_1315 = arith.muli %select_n3A_1295, %mul3A_1314 : i32
        %add3A_1316 = arith.constant 2 : i32
        %add3A_1317 = arith.addi %mul3A_1315, %add3A_1316 : i32
        %mul3A_1318 = arith.constant 128 : i32
        %mul3A_1319 = arith.muli %add3A_1317, %mul3A_1318 : i32
        %add3A_1320 = arith.addi %mul3A_1319, %mul3A_1313 : i32
        %mul3A_1321 = arith.constant 1024 : i32
        %mul3A_1322 = arith.muli %add3A_1320, %mul3A_1321 : i32
        %dma_wait3A_1323 = arith.constant 4096 : i32
        %dma_wait3A_1324 = tpu.memref_slice %arg9[%dma_wait3A_1323] : memref<8192xf32, #tpu.memory_space<vmem>> -> memref<2048xf32, #tpu.memory_space<vmem>>
        %dma_wait3A_1325 = tpu.memref_slice %arg4[%mul3A_1322] : memref<13631488xf32, #tpu.memory_space<hbm>> -> memref<2048xf32, #tpu.memory_space<hbm>>
        %dma_wait3A_1326 = tpu.memref_slice %arg4[%mul3A_1322] : memref<13631488xf32, #tpu.memory_space<hbm>> -> memref<2048xf32, #tpu.memory_space<hbm>>
        %dma_wait3A_1327 = arith.constant 4096 : i32
        %dma_wait3A_1328 = tpu.memref_slice %arg9[%dma_wait3A_1327] : memref<8192xf32, #tpu.memory_space<vmem>> -> memref<2048xf32, #tpu.memory_space<vmem>>
        tpu.wait_dma2 semaphore(%arg13 : memref<!tpu.dma_semaphore, #tpu.memory_space<semaphore_mem>>) src(%dma_wait3A_1328 : memref<2048xf32, #tpu.memory_space<vmem>>) dst(%dma_wait3A_1326 : memref<2048xf32, #tpu.memory_space<hbm>>)
        %jit3A_1329 = arith.constant 64 : i32
        %div3A_1330 = arith.divsi %sub3A_1157, %jit3A_1329 : i32
        %sign3A_1331 = arith.constant 0 : i32
        %sign3A_1332 = arith.cmpi sgt, %sub3A_1157, %sign3A_1331 : i32
        %sign3A_1333 = arith.extui %sign3A_1332 : i1 to i32
        %sign3A_1334 = arith.constant 0 : i32
        %sign3A_1335 = arith.cmpi slt, %sub3A_1157, %sign3A_1334 : i32
        %sign3A_1336 = arith.extui %sign3A_1335 : i1 to i32
        %sign3A_1337 = arith.subi %sign3A_1333, %sign3A_1336 : i32
        %sign3A_1338 = arith.constant 0 : i32
        %sign3A_1339 = arith.cmpi sgt, %jit3A_1329, %sign3A_1338 : i32
        %sign3A_1340 = arith.extui %sign3A_1339 : i1 to i32
        %sign3A_1341 = arith.constant 0 : i32
        %sign3A_1342 = arith.cmpi slt, %jit3A_1329, %sign3A_1341 : i32
        %sign3A_1343 = arith.extui %sign3A_1342 : i1 to i32
        %sign3A_1344 = arith.subi %sign3A_1340, %sign3A_1343 : i32
        %ne3A_1345 = arith.cmpi ne, %sign3A_1337, %sign3A_1344 : i32
        %rem3A_1346 = arith.remsi %sub3A_1157, %jit3A_1329 : i32
        %ne3A_1347 = arith.constant 0 : i32
        %ne3A_1348 = arith.cmpi ne, %rem3A_1346, %ne3A_1347 : i32
        %and3A_1349 = arith.andi %ne3A_1345, %ne3A_1348 : i1
        %sub3A_1350 = arith.constant 1 : i32
        %sub3A_1351 = arith.subi %div3A_1330, %sub3A_1350 : i32
        %select_n3A_1352 = arith.select %and3A_1349, %sub3A_1351, %div3A_1330 : i32
        %jit3A_1353 = arith.constant 64 : i32
        %eq3A_1354 = arith.constant 0 : i32
        %eq3A_1355 = arith.cmpi eq, %jit3A_1353, %eq3A_1354 : i32
        %jit3A_1356 = arith.constant 1 : i32
        %select_n3A_1357 = arith.select %eq3A_1355, %jit3A_1356, %jit3A_1353 : i32
        %rem3A_1358 = arith.remsi %sub3A_1157, %select_n3A_1357 : i32
        %ne3A_1359 = arith.constant 0 : i32
        %ne3A_1360 = arith.cmpi ne, %rem3A_1358, %ne3A_1359 : i32
        %lt3A_1361 = arith.constant 0 : i32
        %lt3A_1362 = arith.cmpi slt, %rem3A_1358, %lt3A_1361 : i32
        %lt3A_1363 = arith.constant 0 : i32
        %lt3A_1364 = arith.cmpi slt, %select_n3A_1357, %lt3A_1363 : i32
        %ne3A_1365 = arith.xori %lt3A_1362, %lt3A_1364 : i1
        %and3A_1366 = arith.andi %ne3A_1365, %ne3A_1360 : i1
        %add3A_1367 = arith.addi %rem3A_1358, %select_n3A_1357 : i32
        %select_n3A_1368 = arith.select %and3A_1366, %add3A_1367, %rem3A_1358 : i32
        %mul3A_1369 = arith.constant 2 : i32
        %mul3A_1370 = arith.muli %select_n3A_1368, %mul3A_1369 : i32
        %mul3A_1371 = arith.constant 4 : i32
        %mul3A_1372 = arith.muli %select_n3A_1352, %mul3A_1371 : i32
        %add3A_1373 = arith.constant 3 : i32
        %add3A_1374 = arith.addi %mul3A_1372, %add3A_1373 : i32
        %mul3A_1375 = arith.constant 128 : i32
        %mul3A_1376 = arith.muli %add3A_1374, %mul3A_1375 : i32
        %add3A_1377 = arith.addi %mul3A_1376, %mul3A_1370 : i32
        %mul3A_1378 = arith.constant 1024 : i32
        %mul3A_1379 = arith.muli %add3A_1377, %mul3A_1378 : i32
        %dma_wait3A_1380 = arith.constant 6144 : i32
        %dma_wait3A_1381 = tpu.memref_slice %arg9[%dma_wait3A_1380] : memref<8192xf32, #tpu.memory_space<vmem>> -> memref<2048xf32, #tpu.memory_space<vmem>>
        %dma_wait3A_1382 = tpu.memref_slice %arg4[%mul3A_1379] : memref<13631488xf32, #tpu.memory_space<hbm>> -> memref<2048xf32, #tpu.memory_space<hbm>>
        %dma_wait3A_1383 = tpu.memref_slice %arg4[%mul3A_1379] : memref<13631488xf32, #tpu.memory_space<hbm>> -> memref<2048xf32, #tpu.memory_space<hbm>>
        %dma_wait3A_1384 = arith.constant 6144 : i32
        %dma_wait3A_1385 = tpu.memref_slice %arg9[%dma_wait3A_1384] : memref<8192xf32, #tpu.memory_space<vmem>> -> memref<2048xf32, #tpu.memory_space<vmem>>
        tpu.wait_dma2 semaphore(%arg13 : memref<!tpu.dma_semaphore, #tpu.memory_space<semaphore_mem>>) src(%dma_wait3A_1385 : memref<2048xf32, #tpu.memory_space<vmem>>) dst(%dma_wait3A_1383 : memref<2048xf32, #tpu.memory_space<hbm>>)
      } else {
      }
      %scan3A_917 = arith.constant 0 : i32
      %scan3A_918 = arith.constant 0 : i32
      %scan3A_919 = arith.constant 64 : i32
      %scan3A_920 = arith.addi %scan3A_918, %scan3A_919 : i32
      %scan3A_921 = arith.constant 1 : i32
      scf.for %scan3A_1156 = %scan3A_918 to %scan3A_920 step %scan3A_921  : i32 {
        %mul3A_1157 = arith.constant 2 : i32
        %mul3A_1158 = arith.muli %scan3A_1156, %mul3A_1157 : i32
        %add3A_1159 = arith.constant 0 : i32
        %add3A_1160 = arith.addi %add3A_1159, %mul3A_1158 : i32
        %add3A_1161 = arith.constant 0 : i32
        %add3A_1162 = arith.addi %add3A_1160, %add3A_1161 : i32
        %add3A_1163 = arith.constant 0 : i32
        %add3A_1164 = arith.addi %add3A_1163, %mul3A_1158 : i32
        %add3A_1165 = arith.constant 0 : i32
        %add3A_1166 = arith.addi %add3A_1164, %add3A_1165 : i32
        %get3A = arith.index_cast %add3A_1162 : i32 to index
        %get3A_1167 = arith.constant 0 : index
        %get3A_1168 = tpu.vector_load %arg7[%get3A, %get3A_1167] {strides = array<i32>} : memref<256x128xf32, #tpu.memory_space<vmem>>, vector<16xf32>,
        %add3A_1169 = vector.broadcast %add3A_1166 : i32 to vector<16xi32>
        %add3A_1170 = arith.addi %add3A_52, %add3A_1169 : vector<16xi32>
        tpu.vector_store_idx %arg9[%add3A_1170], %get3A_1168 : memref<8192xf32, #tpu.memory_space<vmem>>[vector<16xi32>], vector<16xf32>,
        %get3A_1171 = arith.index_cast %add3A_1162 : i32 to index
        %get3A_1172 = arith.constant 16 : index
        %get3A_1173 = tpu.vector_load %arg7[%get3A_1171, %get3A_1172] {strides = array<i32>} : memref<256x128xf32, #tpu.memory_space<vmem>>, vector<16xf32>,
        %add3A_1174 = vector.broadcast %add3A_1166 : i32 to vector<16xi32>
        %add3A_1175 = arith.addi %add3A_115, %add3A_1174 : vector<16xi32>
        tpu.vector_store_idx %arg9[%add3A_1175], %get3A_1173 : memref<8192xf32, #tpu.memory_space<vmem>>[vector<16xi32>], vector<16xf32>,
        %add3A_1176 = arith.constant 128 : i32
        %add3A_1177 = arith.addi %add3A_1176, %mul3A_1158 : i32
        %add3A_1178 = arith.constant 0 : i32
        %add3A_1179 = arith.addi %add3A_1177, %add3A_1178 : i32
        %add3A_1180 = arith.constant 1024 : i32
        %add3A_1181 = arith.addi %add3A_1180, %mul3A_1158 : i32
        %add3A_1182 = arith.constant 0 : i32
        %add3A_1183 = arith.addi %add3A_1181, %add3A_1182 : i32
        %get3A_1184 = arith.index_cast %add3A_1179 : i32 to index
        %get3A_1185 = arith.constant 0 : index
        %get3A_1186 = tpu.vector_load %arg7[%get3A_1184, %get3A_1185] {strides = array<i32>} : memref<256x128xf32, #tpu.memory_space<vmem>>, vector<16xf32>,
        %add3A_1187 = vector.broadcast %add3A_1183 : i32 to vector<16xi32>
        %add3A_1188 = arith.addi %add3A_52, %add3A_1187 : vector<16xi32>
        tpu.vector_store_idx %arg9[%add3A_1188], %get3A_1186 : memref<8192xf32, #tpu.memory_space<vmem>>[vector<16xi32>], vector<16xf32>,
        %get3A_1189 = arith.index_cast %add3A_1179 : i32 to index
        %get3A_1190 = arith.constant 16 : index
        %get3A_1191 = tpu.vector_load %arg7[%get3A_1189, %get3A_1190] {strides = array<i32>} : memref<256x128xf32, #tpu.memory_space<vmem>>, vector<16xf32>,
        %add3A_1192 = vector.broadcast %add3A_1183 : i32 to vector<16xi32>
        %add3A_1193 = arith.addi %add3A_115, %add3A_1192 : vector<16xi32>
        tpu.vector_store_idx %arg9[%add3A_1193], %get3A_1191 : memref<8192xf32, #tpu.memory_space<vmem>>[vector<16xi32>], vector<16xf32>,
        %add3A_1194 = arith.constant 0 : i32
        %add3A_1195 = arith.addi %add3A_1194, %mul3A_1158 : i32
        %add3A_1196 = arith.constant 1 : i32
        %add3A_1197 = arith.addi %add3A_1195, %add3A_1196 : i32
        %add3A_1198 = arith.constant 0 : i32
        %add3A_1199 = arith.addi %add3A_1198, %mul3A_1158 : i32
        %add3A_1200 = arith.constant 1 : i32
        %add3A_1201 = arith.addi %add3A_1199, %add3A_1200 : i32
        %get3A_1202 = arith.index_cast %add3A_1197 : i32 to index
        %get3A_1203 = arith.constant 0 : index
        %get3A_1204 = tpu.vector_load %arg7[%get3A_1202, %get3A_1203] {strides = array<i32>} : memref<256x128xf32, #tpu.memory_space<vmem>>, vector<16xf32>,
        %add3A_1205 = vector.broadcast %add3A_1201 : i32 to vector<16xi32>
        %add3A_1206 = arith.addi %add3A_52, %add3A_1205 : vector<16xi32>
        tpu.vector_store_idx %arg9[%add3A_1206], %get3A_1204 : memref<8192xf32, #tpu.memory_space<vmem>>[vector<16xi32>], vector<16xf32>,
        %get3A_1207 = arith.index_cast %add3A_1197 : i32 to index
        %get3A_1208 = arith.constant 16 : index
        %get3A_1209 = tpu.vector_load %arg7[%get3A_1207, %get3A_1208] {strides = array<i32>} : memref<256x128xf32, #tpu.memory_space<vmem>>, vector<16xf32>,
        %add3A_1210 = vector.broadcast %add3A_1201 : i32 to vector<16xi32>
        %add3A_1211 = arith.addi %add3A_115, %add3A_1210 : vector<16xi32>
        tpu.vector_store_idx %arg9[%add3A_1211], %get3A_1209 : memref<8192xf32, #tpu.memory_space<vmem>>[vector<16xi32>], vector<16xf32>,
        %add3A_1212 = arith.constant 128 : i32
        %add3A_1213 = arith.addi %add3A_1212, %mul3A_1158 : i32
        %add3A_1214 = arith.constant 1 : i32
        %add3A_1215 = arith.addi %add3A_1213, %add3A_1214 : i32
        %add3A_1216 = arith.constant 1024 : i32
        %add3A_1217 = arith.addi %add3A_1216, %mul3A_1158 : i32
        %add3A_1218 = arith.constant 1 : i32
        %add3A_1219 = arith.addi %add3A_1217, %add3A_1218 : i32
        %get3A_1220 = arith.index_cast %add3A_1215 : i32 to index
        %get3A_1221 = arith.constant 0 : index
        %get3A_1222 = tpu.vector_load %arg7[%get3A_1220, %get3A_1221] {strides = array<i32>} : memref<256x128xf32, #tpu.memory_space<vmem>>, vector<16xf32>,
        %add3A_1223 = vector.broadcast %add3A_1219 : i32 to vector<16xi32>
        %add3A_1224 = arith.addi %add3A_52, %add3A_1223 : vector<16xi32>
        tpu.vector_store_idx %arg9[%add3A_1224], %get3A_1222 : memref<8192xf32, #tpu.memory_space<vmem>>[vector<16xi32>], vector<16xf32>,
        %get3A_1225 = arith.index_cast %add3A_1215 : i32 to index
        %get3A_1226 = arith.constant 16 : index
        %get3A_1227 = tpu.vector_load %arg7[%get3A_1225, %get3A_1226] {strides = array<i32>} : memref<256x128xf32, #tpu.memory_space<vmem>>, vector<16xf32>,
        %add3A_1228 = vector.broadcast %add3A_1219 : i32 to vector<16xi32>
        %add3A_1229 = arith.addi %add3A_115, %add3A_1228 : vector<16xi32>
        tpu.vector_store_idx %arg9[%add3A_1229], %get3A_1227 : memref<8192xf32, #tpu.memory_space<vmem>>[vector<16xi32>], vector<16xf32>,
      }
      %scan3A_922 = arith.constant 64 : i32
      %jit3A_923 = arith.constant 64 : i32
      %div3A_924 = arith.divsi %add3A_630, %jit3A_923 : i32
      %sign3A_925 = arith.constant 0 : i32
      %sign3A_926 = arith.cmpi sgt, %add3A_630, %sign3A_925 : i32
      %sign3A_927 = arith.extui %sign3A_926 : i1 to i32
      %sign3A_928 = arith.constant 0 : i32
      %sign3A_929 = arith.cmpi slt, %add3A_630, %sign3A_928 : i32
      %sign3A_930 = arith.extui %sign3A_929 : i1 to i32
      %sign3A_931 = arith.subi %sign3A_927, %sign3A_930 : i32
      %sign3A_932 = arith.constant 0 : i32
      %sign3A_933 = arith.cmpi sgt, %jit3A_923, %sign3A_932 : i32
      %sign3A_934 = arith.extui %sign3A_933 : i1 to i32
      %sign3A_935 = arith.constant 0 : i32
      %sign3A_936 = arith.cmpi slt, %jit3A_923, %sign3A_935 : i32
      %sign3A_937 = arith.extui %sign3A_936 : i1 to i32
      %sign3A_938 = arith.subi %sign3A_934, %sign3A_937 : i32
      %ne3A_939 = arith.cmpi ne, %sign3A_931, %sign3A_938 : i32
      %rem3A_940 = arith.remsi %add3A_630, %jit3A_923 : i32
      %ne3A_941 = arith.constant 0 : i32
      %ne3A_942 = arith.cmpi ne, %rem3A_940, %ne3A_941 : i32
      %and3A_943 = arith.andi %ne3A_939, %ne3A_942 : i1
      %sub3A_944 = arith.constant 1 : i32
      %sub3A_945 = arith.subi %div3A_924, %sub3A_944 : i32
      %select_n3A_946 = arith.select %and3A_943, %sub3A_945, %div3A_924 : i32
      %jit3A_947 = arith.constant 64 : i32
      %eq3A_948 = arith.constant 0 : i32
      %eq3A_949 = arith.cmpi eq, %jit3A_947, %eq3A_948 : i32
      %jit3A_950 = arith.constant 1 : i32
      %select_n3A_951 = arith.select %eq3A_949, %jit3A_950, %jit3A_947 : i32
      %rem3A_952 = arith.remsi %add3A_630, %select_n3A_951 : i32
      %ne3A_953 = arith.constant 0 : i32
      %ne3A_954 = arith.cmpi ne, %rem3A_952, %ne3A_953 : i32
      %lt3A_955 = arith.constant 0 : i32
      %lt3A_956 = arith.cmpi slt, %rem3A_952, %lt3A_955 : i32
      %lt3A_957 = arith.constant 0 : i32
      %lt3A_958 = arith.cmpi slt, %select_n3A_951, %lt3A_957 : i32
      %ne3A_959 = arith.xori %lt3A_956, %lt3A_958 : i1
      %and3A_960 = arith.andi %ne3A_959, %ne3A_954 : i1
      %add3A_961 = arith.addi %rem3A_952, %select_n3A_951 : i32
      %select_n3A_962 = arith.select %and3A_960, %add3A_961, %rem3A_952 : i32
      %mul3A_963 = arith.constant 2 : i32
      %mul3A_964 = arith.muli %select_n3A_962, %mul3A_963 : i32
      %mul3A_965 = arith.constant 4 : i32
      %mul3A_966 = arith.muli %select_n3A_946, %mul3A_965 : i32
      %add3A_967 = arith.constant 0 : i32
      %add3A_968 = arith.addi %mul3A_966, %add3A_967 : i32
      %mul3A_969 = arith.constant 128 : i32
      %mul3A_970 = arith.muli %add3A_968, %mul3A_969 : i32
      %add3A_971 = arith.addi %mul3A_970, %mul3A_964 : i32
      %mul3A_972 = arith.constant 1024 : i32
      %mul3A_973 = arith.muli %add3A_971, %mul3A_972 : i32
      %dma_start3A_974 = arith.constant 0 : i32
      %dma_start3A_975 = tpu.memref_slice %arg9[%dma_start3A_974] : memref<8192xf32, #tpu.memory_space<vmem>> -> memref<2048xf32, #tpu.memory_space<vmem>>
      %dma_start3A_976 = tpu.memref_slice %arg4[%mul3A_973] : memref<13631488xf32, #tpu.memory_space<hbm>> -> memref<2048xf32, #tpu.memory_space<hbm>>
      %dma_start3A_977 = tpu.memref_slice %arg4[%mul3A_973] : memref<13631488xf32, #tpu.memory_space<hbm>> -> memref<2048xf32, #tpu.memory_space<hbm>>
      %dma_start3A_978 = arith.constant 0 : i32
      %dma_start3A_979 = tpu.memref_slice %arg9[%dma_start3A_978] : memref<8192xf32, #tpu.memory_space<vmem>> -> memref<2048xf32, #tpu.memory_space<vmem>>
      tpu.enqueue_dma source(%dma_start3A_979 : memref<2048xf32, #tpu.memory_space<vmem>>) target(%dma_start3A_977 : memref<2048xf32, #tpu.memory_space<hbm>>) target_semaphore(%arg13 : memref<!tpu.dma_semaphore, #tpu.memory_space<semaphore_mem>>)
      %jit3A_980 = arith.constant 64 : i32
      %div3A_981 = arith.divsi %add3A_630, %jit3A_980 : i32
      %sign3A_982 = arith.constant 0 : i32
      %sign3A_983 = arith.cmpi sgt, %add3A_630, %sign3A_982 : i32
      %sign3A_984 = arith.extui %sign3A_983 : i1 to i32
      %sign3A_985 = arith.constant 0 : i32
      %sign3A_986 = arith.cmpi slt, %add3A_630, %sign3A_985 : i32
      %sign3A_987 = arith.extui %sign3A_986 : i1 to i32
      %sign3A_988 = arith.subi %sign3A_984, %sign3A_987 : i32
      %sign3A_989 = arith.constant 0 : i32
      %sign3A_990 = arith.cmpi sgt, %jit3A_980, %sign3A_989 : i32
      %sign3A_991 = arith.extui %sign3A_990 : i1 to i32
      %sign3A_992 = arith.constant 0 : i32
      %sign3A_993 = arith.cmpi slt, %jit3A_980, %sign3A_992 : i32
      %sign3A_994 = arith.extui %sign3A_993 : i1 to i32
      %sign3A_995 = arith.subi %sign3A_991, %sign3A_994 : i32
      %ne3A_996 = arith.cmpi ne, %sign3A_988, %sign3A_995 : i32
      %rem3A_997 = arith.remsi %add3A_630, %jit3A_980 : i32
      %ne3A_998 = arith.constant 0 : i32
      %ne3A_999 = arith.cmpi ne, %rem3A_997, %ne3A_998 : i32
      %and3A_1000 = arith.andi %ne3A_996, %ne3A_999 : i1
      %sub3A_1001 = arith.constant 1 : i32
      %sub3A_1002 = arith.subi %div3A_981, %sub3A_1001 : i32
      %select_n3A_1003 = arith.select %and3A_1000, %sub3A_1002, %div3A_981 : i32
      %jit3A_1004 = arith.constant 64 : i32
      %eq3A_1005 = arith.constant 0 : i32
      %eq3A_1006 = arith.cmpi eq, %jit3A_1004, %eq3A_1005 : i32
      %jit3A_1007 = arith.constant 1 : i32
      %select_n3A_1008 = arith.select %eq3A_1006, %jit3A_1007, %jit3A_1004 : i32
      %rem3A_1009 = arith.remsi %add3A_630, %select_n3A_1008 : i32
      %ne3A_1010 = arith.constant 0 : i32
      %ne3A_1011 = arith.cmpi ne, %rem3A_1009, %ne3A_1010 : i32
      %lt3A_1012 = arith.constant 0 : i32
      %lt3A_1013 = arith.cmpi slt, %rem3A_1009, %lt3A_1012 : i32
      %lt3A_1014 = arith.constant 0 : i32
      %lt3A_1015 = arith.cmpi slt, %select_n3A_1008, %lt3A_1014 : i32
      %ne3A_1016 = arith.xori %lt3A_1013, %lt3A_1015 : i1
      %and3A_1017 = arith.andi %ne3A_1016, %ne3A_1011 : i1
      %add3A_1018 = arith.addi %rem3A_1009, %select_n3A_1008 : i32
      %select_n3A_1019 = arith.select %and3A_1017, %add3A_1018, %rem3A_1009 : i32
      %mul3A_1020 = arith.constant 2 : i32
      %mul3A_1021 = arith.muli %select_n3A_1019, %mul3A_1020 : i32
      %mul3A_1022 = arith.constant 4 : i32
      %mul3A_1023 = arith.muli %select_n3A_1003, %mul3A_1022 : i32
      %add3A_1024 = arith.constant 1 : i32
      %add3A_1025 = arith.addi %mul3A_1023, %add3A_1024 : i32
      %mul3A_1026 = arith.constant 128 : i32
      %mul3A_1027 = arith.muli %add3A_1025, %mul3A_1026 : i32
      %add3A_1028 = arith.addi %mul3A_1027, %mul3A_1021 : i32
      %mul3A_1029 = arith.constant 1024 : i32
      %mul3A_1030 = arith.muli %add3A_1028, %mul3A_1029 : i32
      %dma_start3A_1031 = arith.constant 2048 : i32
      %dma_start3A_1032 = tpu.memref_slice %arg9[%dma_start3A_1031] : memref<8192xf32, #tpu.memory_space<vmem>> -> memref<2048xf32, #tpu.memory_space<vmem>>
      %dma_start3A_1033 = tpu.memref_slice %arg4[%mul3A_1030] : memref<13631488xf32, #tpu.memory_space<hbm>> -> memref<2048xf32, #tpu.memory_space<hbm>>
      %dma_start3A_1034 = tpu.memref_slice %arg4[%mul3A_1030] : memref<13631488xf32, #tpu.memory_space<hbm>> -> memref<2048xf32, #tpu.memory_space<hbm>>
      %dma_start3A_1035 = arith.constant 2048 : i32
      %dma_start3A_1036 = tpu.memref_slice %arg9[%dma_start3A_1035] : memref<8192xf32, #tpu.memory_space<vmem>> -> memref<2048xf32, #tpu.memory_space<vmem>>
      tpu.enqueue_dma source(%dma_start3A_1036 : memref<2048xf32, #tpu.memory_space<vmem>>) target(%dma_start3A_1034 : memref<2048xf32, #tpu.memory_space<hbm>>) target_semaphore(%arg13 : memref<!tpu.dma_semaphore, #tpu.memory_space<semaphore_mem>>)
      %jit3A_1037 = arith.constant 64 : i32
      %div3A_1038 = arith.divsi %add3A_630, %jit3A_1037 : i32
      %sign3A_1039 = arith.constant 0 : i32
      %sign3A_1040 = arith.cmpi sgt, %add3A_630, %sign3A_1039 : i32
      %sign3A_1041 = arith.extui %sign3A_1040 : i1 to i32
      %sign3A_1042 = arith.constant 0 : i32
      %sign3A_1043 = arith.cmpi slt, %add3A_630, %sign3A_1042 : i32
      %sign3A_1044 = arith.extui %sign3A_1043 : i1 to i32
      %sign3A_1045 = arith.subi %sign3A_1041, %sign3A_1044 : i32
      %sign3A_1046 = arith.constant 0 : i32
      %sign3A_1047 = arith.cmpi sgt, %jit3A_1037, %sign3A_1046 : i32
      %sign3A_1048 = arith.extui %sign3A_1047 : i1 to i32
      %sign3A_1049 = arith.constant 0 : i32
      %sign3A_1050 = arith.cmpi slt, %jit3A_1037, %sign3A_1049 : i32
      %sign3A_1051 = arith.extui %sign3A_1050 : i1 to i32
      %sign3A_1052 = arith.subi %sign3A_1048, %sign3A_1051 : i32
      %ne3A_1053 = arith.cmpi ne, %sign3A_1045, %sign3A_1052 : i32
      %rem3A_1054 = arith.remsi %add3A_630, %jit3A_1037 : i32
      %ne3A_1055 = arith.constant 0 : i32
      %ne3A_1056 = arith.cmpi ne, %rem3A_1054, %ne3A_1055 : i32
      %and3A_1057 = arith.andi %ne3A_1053, %ne3A_1056 : i1
      %sub3A_1058 = arith.constant 1 : i32
      %sub3A_1059 = arith.subi %div3A_1038, %sub3A_1058 : i32
      %select_n3A_1060 = arith.select %and3A_1057, %sub3A_1059, %div3A_1038 : i32
      %jit3A_1061 = arith.constant 64 : i32
      %eq3A_1062 = arith.constant 0 : i32
      %eq3A_1063 = arith.cmpi eq, %jit3A_1061, %eq3A_1062 : i32
      %jit3A_1064 = arith.constant 1 : i32
      %select_n3A_1065 = arith.select %eq3A_1063, %jit3A_1064, %jit3A_1061 : i32
      %rem3A_1066 = arith.remsi %add3A_630, %select_n3A_1065 : i32
      %ne3A_1067 = arith.constant 0 : i32
      %ne3A_1068 = arith.cmpi ne, %rem3A_1066, %ne3A_1067 : i32
      %lt3A_1069 = arith.constant 0 : i32
      %lt3A_1070 = arith.cmpi slt, %rem3A_1066, %lt3A_1069 : i32
      %lt3A_1071 = arith.constant 0 : i32
      %lt3A_1072 = arith.cmpi slt, %select_n3A_1065, %lt3A_1071 : i32
      %ne3A_1073 = arith.xori %lt3A_1070, %lt3A_1072 : i1
      %and3A_1074 = arith.andi %ne3A_1073, %ne3A_1068 : i1
      %add3A_1075 = arith.addi %rem3A_1066, %select_n3A_1065 : i32
      %select_n3A_1076 = arith.select %and3A_1074, %add3A_1075, %rem3A_1066 : i32
      %mul3A_1077 = arith.constant 2 : i32
      %mul3A_1078 = arith.muli %select_n3A_1076, %mul3A_1077 : i32
      %mul3A_1079 = arith.constant 4 : i32
      %mul3A_1080 = arith.muli %select_n3A_1060, %mul3A_1079 : i32
      %add3A_1081 = arith.constant 2 : i32
      %add3A_1082 = arith.addi %mul3A_1080, %add3A_1081 : i32
      %mul3A_1083 = arith.constant 128 : i32
      %mul3A_1084 = arith.muli %add3A_1082, %mul3A_1083 : i32
      %add3A_1085 = arith.addi %mul3A_1084, %mul3A_1078 : i32
      %mul3A_1086 = arith.constant 1024 : i32
      %mul3A_1087 = arith.muli %add3A_1085, %mul3A_1086 : i32
      %dma_start3A_1088 = arith.constant 4096 : i32
      %dma_start3A_1089 = tpu.memref_slice %arg9[%dma_start3A_1088] : memref<8192xf32, #tpu.memory_space<vmem>> -> memref<2048xf32, #tpu.memory_space<vmem>>
      %dma_start3A_1090 = tpu.memref_slice %arg4[%mul3A_1087] : memref<13631488xf32, #tpu.memory_space<hbm>> -> memref<2048xf32, #tpu.memory_space<hbm>>
      %dma_start3A_1091 = tpu.memref_slice %arg4[%mul3A_1087] : memref<13631488xf32, #tpu.memory_space<hbm>> -> memref<2048xf32, #tpu.memory_space<hbm>>
      %dma_start3A_1092 = arith.constant 4096 : i32
      %dma_start3A_1093 = tpu.memref_slice %arg9[%dma_start3A_1092] : memref<8192xf32, #tpu.memory_space<vmem>> -> memref<2048xf32, #tpu.memory_space<vmem>>
      tpu.enqueue_dma source(%dma_start3A_1093 : memref<2048xf32, #tpu.memory_space<vmem>>) target(%dma_start3A_1091 : memref<2048xf32, #tpu.memory_space<hbm>>) target_semaphore(%arg13 : memref<!tpu.dma_semaphore, #tpu.memory_space<semaphore_mem>>)
      %jit3A_1094 = arith.constant 64 : i32
      %div3A_1095 = arith.divsi %add3A_630, %jit3A_1094 : i32
      %sign3A_1096 = arith.constant 0 : i32
      %sign3A_1097 = arith.cmpi sgt, %add3A_630, %sign3A_1096 : i32
      %sign3A_1098 = arith.extui %sign3A_1097 : i1 to i32
      %sign3A_1099 = arith.constant 0 : i32
      %sign3A_1100 = arith.cmpi slt, %add3A_630, %sign3A_1099 : i32
      %sign3A_1101 = arith.extui %sign3A_1100 : i1 to i32
      %sign3A_1102 = arith.subi %sign3A_1098, %sign3A_1101 : i32
      %sign3A_1103 = arith.constant 0 : i32
      %sign3A_1104 = arith.cmpi sgt, %jit3A_1094, %sign3A_1103 : i32
      %sign3A_1105 = arith.extui %sign3A_1104 : i1 to i32
      %sign3A_1106 = arith.constant 0 : i32
      %sign3A_1107 = arith.cmpi slt, %jit3A_1094, %sign3A_1106 : i32
      %sign3A_1108 = arith.extui %sign3A_1107 : i1 to i32
      %sign3A_1109 = arith.subi %sign3A_1105, %sign3A_1108 : i32
      %ne3A_1110 = arith.cmpi ne, %sign3A_1102, %sign3A_1109 : i32
      %rem3A_1111 = arith.remsi %add3A_630, %jit3A_1094 : i32
      %ne3A_1112 = arith.constant 0 : i32
      %ne3A_1113 = arith.cmpi ne, %rem3A_1111, %ne3A_1112 : i32
      %and3A_1114 = arith.andi %ne3A_1110, %ne3A_1113 : i1
      %sub3A_1115 = arith.constant 1 : i32
      %sub3A_1116 = arith.subi %div3A_1095, %sub3A_1115 : i32
      %select_n3A_1117 = arith.select %and3A_1114, %sub3A_1116, %div3A_1095 : i32
      %jit3A_1118 = arith.constant 64 : i32
      %eq3A_1119 = arith.constant 0 : i32
      %eq3A_1120 = arith.cmpi eq, %jit3A_1118, %eq3A_1119 : i32
      %jit3A_1121 = arith.constant 1 : i32
      %select_n3A_1122 = arith.select %eq3A_1120, %jit3A_1121, %jit3A_1118 : i32
      %rem3A_1123 = arith.remsi %add3A_630, %select_n3A_1122 : i32
      %ne3A_1124 = arith.constant 0 : i32
      %ne3A_1125 = arith.cmpi ne, %rem3A_1123, %ne3A_1124 : i32
      %lt3A_1126 = arith.constant 0 : i32
      %lt3A_1127 = arith.cmpi slt, %rem3A_1123, %lt3A_1126 : i32
      %lt3A_1128 = arith.constant 0 : i32
      %lt3A_1129 = arith.cmpi slt, %select_n3A_1122, %lt3A_1128 : i32
      %ne3A_1130 = arith.xori %lt3A_1127, %lt3A_1129 : i1
      %and3A_1131 = arith.andi %ne3A_1130, %ne3A_1125 : i1
      %add3A_1132 = arith.addi %rem3A_1123, %select_n3A_1122 : i32
      %select_n3A_1133 = arith.select %and3A_1131, %add3A_1132, %rem3A_1123 : i32
      %mul3A_1134 = arith.constant 2 : i32
      %mul3A_1135 = arith.muli %select_n3A_1133, %mul3A_1134 : i32
      %mul3A_1136 = arith.constant 4 : i32
      %mul3A_1137 = arith.muli %select_n3A_1117, %mul3A_1136 : i32
      %add3A_1138 = arith.constant 3 : i32
      %add3A_1139 = arith.addi %mul3A_1137, %add3A_1138 : i32
      %mul3A_1140 = arith.constant 128 : i32
      %mul3A_1141 = arith.muli %add3A_1139, %mul3A_1140 : i32
      %add3A_1142 = arith.addi %mul3A_1141, %mul3A_1135 : i32
      %mul3A_1143 = arith.constant 1024 : i32
      %mul3A_1144 = arith.muli %add3A_1142, %mul3A_1143 : i32
      %dma_start3A_1145 = arith.constant 6144 : i32
      %dma_start3A_1146 = tpu.memref_slice %arg9[%dma_start3A_1145] : memref<8192xf32, #tpu.memory_space<vmem>> -> memref<2048xf32, #tpu.memory_space<vmem>>
      %dma_start3A_1147 = tpu.memref_slice %arg4[%mul3A_1144] : memref<13631488xf32, #tpu.memory_space<hbm>> -> memref<2048xf32, #tpu.memory_space<hbm>>
      %dma_start3A_1148 = tpu.memref_slice %arg4[%mul3A_1144] : memref<13631488xf32, #tpu.memory_space<hbm>> -> memref<2048xf32, #tpu.memory_space<hbm>>
      %dma_start3A_1149 = arith.constant 6144 : i32
      %dma_start3A_1150 = tpu.memref_slice %arg9[%dma_start3A_1149] : memref<8192xf32, #tpu.memory_space<vmem>> -> memref<2048xf32, #tpu.memory_space<vmem>>
      tpu.enqueue_dma source(%dma_start3A_1150 : memref<2048xf32, #tpu.memory_space<vmem>>) target(%dma_start3A_1148 : memref<2048xf32, #tpu.memory_space<hbm>>) target_semaphore(%arg13 : memref<!tpu.dma_semaphore, #tpu.memory_space<semaphore_mem>>)
      %lt3A_1151 = arith.constant 25 : i32
      %lt3A_1152 = arith.cmpi slt, %scan3A_623, %lt3A_1151 : i32
      %convert_element_type3A_1153 = arith.extui %lt3A_1152 : i1 to i32
      %cond3A_1154 = arith.constant 0 : i32
      %cond3A_1155 = arith.cmpi ne, %convert_element_type3A_1153, %cond3A_1154 : i32
      scf.if %cond3A_1155 {
        %add3A_1156 = arith.constant 2 : i32
        %add3A_1157 = arith.addi %add3A_627, %add3A_1156 : i32
        %mul3A_1158 = arith.constant 2 : i32
        %mul3A_1159 = arith.muli %add3A_1157, %mul3A_1158 : i32
        %add3A_1160 = arith.constant 0 : i32
        %add3A_1161 = arith.addi %mul3A_1159, %add3A_1160 : i32
        %dma_start3A_1162 = arith.constant 0 : i32
        %dma_start3A_1163 = arith.constant 0 : i32
        %dma_start3A_1164 = tpu.memref_slice %arg7[%dma_start3A_1162, %dma_start3A_1163] : memref<256x128xf32, #tpu.memory_space<vmem>> -> memref<128x128xf32, #tpu.memory_space<vmem>>
        %dma_start3A_1165 = arith.constant 0 : i32
        %dma_start3A_1166 = tpu.memref_slice %arg5[%add3A_1161, %dma_start3A_1165] : memref<104x128xi32, #tpu.memory_space<vmem>> -> memref<1x128xi32, #tpu.memory_space<vmem>>
        %dma_start3A_1167 = tpu.memref_squeeze %dma_start3A_1166 : memref<1x128xi32, #tpu.memory_space<vmem>> -> memref<128xi32, #tpu.memory_space<vmem>>
        %dma_start3A_1168 = arith.constant 0 : i32
        %dma_start3A_1169 = arith.constant 0 : i32
        %dma_start3A_1170 = tpu.memref_slice %arg3[%dma_start3A_1168, %dma_start3A_1169] : memref<1000000x128xf32, #tpu.memory_space<hbm>> -> memref<1000000x128xf32, #tpu.memory_space<hbm>>
        tpu.enqueue_indirect_dma source(%dma_start3A_1170 : memref<1000000x128xf32, #tpu.memory_space<hbm>>) target(%dma_start3A_1164 : memref<128x128xf32, #tpu.memory_space<vmem>>) offsets(%dma_start3A_1167 : memref<128xi32, #tpu.memory_space<vmem>>) semaphore(%arg11 : memref<!tpu.dma_semaphore, #tpu.memory_space<semaphore_mem>>)
        %mul3A_1171 = arith.constant 2 : i32
        %mul3A_1172 = arith.muli %add3A_1157, %mul3A_1171 : i32
        %add3A_1173 = arith.constant 1 : i32
        %add3A_1174 = arith.addi %mul3A_1172, %add3A_1173 : i32
        %dma_start3A_1175 = arith.constant 128 : i32
        %dma_start3A_1176 = arith.constant 0 : i32
        %dma_start3A_1177 = tpu.memref_slice %arg7[%dma_start3A_1175, %dma_start3A_1176] : memref<256x128xf32, #tpu.memory_space<vmem>> -> memref<128x128xf32, #tpu.memory_space<vmem>>
        %dma_start3A_1178 = arith.constant 0 : i32
        %dma_start3A_1179 = tpu.memref_slice %arg5[%add3A_1174, %dma_start3A_1178] : memref<104x128xi32, #tpu.memory_space<vmem>> -> memref<1x128xi32, #tpu.memory_space<vmem>>
        %dma_start3A_1180 = tpu.memref_squeeze %dma_start3A_1179 : memref<1x128xi32, #tpu.memory_space<vmem>> -> memref<128xi32, #tpu.memory_space<vmem>>
        %dma_start3A_1181 = arith.constant 0 : i32
        %dma_start3A_1182 = arith.constant 0 : i32
        %dma_start3A_1183 = tpu.memref_slice %arg3[%dma_start3A_1181, %dma_start3A_1182] : memref<1000000x128xf32, #tpu.memory_space<hbm>> -> memref<1000000x128xf32, #tpu.memory_space<hbm>>
        tpu.enqueue_indirect_dma source(%dma_start3A_1183 : memref<1000000x128xf32, #tpu.memory_space<hbm>>) target(%dma_start3A_1177 : memref<128x128xf32, #tpu.memory_space<vmem>>) offsets(%dma_start3A_1180 : memref<128xi32, #tpu.memory_space<vmem>>) semaphore(%arg11 : memref<!tpu.dma_semaphore, #tpu.memory_space<semaphore_mem>>)
      } else {
      }
    }
    %scan3A_159 = arith.constant 26 : i32
    %add3A_160 = arith.constant 52 : i32
    %add3A_161 = arith.addi %mul3A_2, %add3A_160 : i32
    %sub3A_162 = arith.constant 2 : i32
    %sub3A_163 = arith.subi %add3A_161, %sub3A_162 : i32
    %jit3A_164 = arith.constant 64 : i32
    %div3A_165 = arith.divsi %sub3A_163, %jit3A_164 : i32
    %sign3A_166 = arith.constant 0 : i32
    %sign3A_167 = arith.cmpi sgt, %sub3A_163, %sign3A_166 : i32
    %sign3A_168 = arith.extui %sign3A_167 : i1 to i32
    %sign3A_169 = arith.constant 0 : i32
    %sign3A_170 = arith.cmpi slt, %sub3A_163, %sign3A_169 : i32
    %sign3A_171 = arith.extui %sign3A_170 : i1 to i32
    %sign3A_172 = arith.subi %sign3A_168, %sign3A_171 : i32
    %sign3A_173 = arith.constant 0 : i32
    %sign3A_174 = arith.cmpi sgt, %jit3A_164, %sign3A_173 : i32
    %sign3A_175 = arith.extui %sign3A_174 : i1 to i32
    %sign3A_176 = arith.constant 0 : i32
    %sign3A_177 = arith.cmpi slt, %jit3A_164, %sign3A_176 : i32
    %sign3A_178 = arith.extui %sign3A_177 : i1 to i32
    %sign3A_179 = arith.subi %sign3A_175, %sign3A_178 : i32
    %ne3A_180 = arith.cmpi ne, %sign3A_172, %sign3A_179 : i32
    %rem3A_181 = arith.remsi %sub3A_163, %jit3A_164 : i32
    %ne3A_182 = arith.constant 0 : i32
    %ne3A_183 = arith.cmpi ne, %rem3A_181, %ne3A_182 : i32
    %and3A_184 = arith.andi %ne3A_180, %ne3A_183 : i1
    %sub3A_185 = arith.constant 1 : i32
    %sub3A_186 = arith.subi %div3A_165, %sub3A_185 : i32
    %select_n3A_187 = arith.select %and3A_184, %sub3A_186, %div3A_165 : i32
    %jit3A_188 = arith.constant 64 : i32
    %eq3A_189 = arith.constant 0 : i32
    %eq3A_190 = arith.cmpi eq, %jit3A_188, %eq3A_189 : i32
    %jit3A_191 = arith.constant 1 : i32
    %select_n3A_192 = arith.select %eq3A_190, %jit3A_191, %jit3A_188 : i32
    %rem3A_193 = arith.remsi %sub3A_163, %select_n3A_192 : i32
    %ne3A_194 = arith.constant 0 : i32
    %ne3A_195 = arith.cmpi ne, %rem3A_193, %ne3A_194 : i32
    %lt3A_196 = arith.constant 0 : i32
    %lt3A_197 = arith.cmpi slt, %rem3A_193, %lt3A_196 : i32
    %lt3A_198 = arith.constant 0 : i32
    %lt3A_199 = arith.cmpi slt, %select_n3A_192, %lt3A_198 : i32
    %ne3A_200 = arith.xori %lt3A_197, %lt3A_199 : i1
    %and3A_201 = arith.andi %ne3A_200, %ne3A_195 : i1
    %add3A_202 = arith.addi %rem3A_193, %select_n3A_192 : i32
    %select_n3A_203 = arith.select %and3A_201, %add3A_202, %rem3A_193 : i32
    %mul3A_204 = arith.constant 2 : i32
    %mul3A_205 = arith.muli %select_n3A_203, %mul3A_204 : i32
    %mul3A_206 = arith.constant 4 : i32
    %mul3A_207 = arith.muli %select_n3A_187, %mul3A_206 : i32
    %add3A_208 = arith.constant 0 : i32
    %add3A_209 = arith.addi %mul3A_207, %add3A_208 : i32
    %mul3A_210 = arith.constant 128 : i32
    %mul3A_211 = arith.muli %add3A_209, %mul3A_210 : i32
    %add3A_212 = arith.addi %mul3A_211, %mul3A_205 : i32
    %mul3A_213 = arith.constant 1024 : i32
    %mul3A_214 = arith.muli %add3A_212, %mul3A_213 : i32
    %dma_wait3A = arith.constant 0 : i32
    %dma_wait3A_215 = tpu.memref_slice %arg8[%dma_wait3A] : memref<8192xf32, #tpu.memory_space<vmem>> -> memref<2048xf32, #tpu.memory_space<vmem>>
    %dma_wait3A_216 = tpu.memref_slice %arg4[%mul3A_214] : memref<13631488xf32, #tpu.memory_space<hbm>> -> memref<2048xf32, #tpu.memory_space<hbm>>
    %dma_wait3A_217 = tpu.memref_slice %arg4[%mul3A_214] : memref<13631488xf32, #tpu.memory_space<hbm>> -> memref<2048xf32, #tpu.memory_space<hbm>>
    %dma_wait3A_218 = arith.constant 0 : i32
    %dma_wait3A_219 = tpu.memref_slice %arg8[%dma_wait3A_218] : memref<8192xf32, #tpu.memory_space<vmem>> -> memref<2048xf32, #tpu.memory_space<vmem>>
    tpu.wait_dma2 semaphore(%arg12 : memref<!tpu.dma_semaphore, #tpu.memory_space<semaphore_mem>>) src(%dma_wait3A_219 : memref<2048xf32, #tpu.memory_space<vmem>>) dst(%dma_wait3A_217 : memref<2048xf32, #tpu.memory_space<hbm>>)
    %jit3A_220 = arith.constant 64 : i32
    %div3A_221 = arith.divsi %sub3A_163, %jit3A_220 : i32
    %sign3A_222 = arith.constant 0 : i32
    %sign3A_223 = arith.cmpi sgt, %sub3A_163, %sign3A_222 : i32
    %sign3A_224 = arith.extui %sign3A_223 : i1 to i32
    %sign3A_225 = arith.constant 0 : i32
    %sign3A_226 = arith.cmpi slt, %sub3A_163, %sign3A_225 : i32
    %sign3A_227 = arith.extui %sign3A_226 : i1 to i32
    %sign3A_228 = arith.subi %sign3A_224, %sign3A_227 : i32
    %sign3A_229 = arith.constant 0 : i32
    %sign3A_230 = arith.cmpi sgt, %jit3A_220, %sign3A_229 : i32
    %sign3A_231 = arith.extui %sign3A_230 : i1 to i32
    %sign3A_232 = arith.constant 0 : i32
    %sign3A_233 = arith.cmpi slt, %jit3A_220, %sign3A_232 : i32
    %sign3A_234 = arith.extui %sign3A_233 : i1 to i32
    %sign3A_235 = arith.subi %sign3A_231, %sign3A_234 : i32
    %ne3A_236 = arith.cmpi ne, %sign3A_228, %sign3A_235 : i32
    %rem3A_237 = arith.remsi %sub3A_163, %jit3A_220 : i32
    %ne3A_238 = arith.constant 0 : i32
    %ne3A_239 = arith.cmpi ne, %rem3A_237, %ne3A_238 : i32
    %and3A_240 = arith.andi %ne3A_236, %ne3A_239 : i1
    %sub3A_241 = arith.constant 1 : i32
    %sub3A_242 = arith.subi %div3A_221, %sub3A_241 : i32
    %select_n3A_243 = arith.select %and3A_240, %sub3A_242, %div3A_221 : i32
    %jit3A_244 = arith.constant 64 : i32
    %eq3A_245 = arith.constant 0 : i32
    %eq3A_246 = arith.cmpi eq, %jit3A_244, %eq3A_245 : i32
    %jit3A_247 = arith.constant 1 : i32
    %select_n3A_248 = arith.select %eq3A_246, %jit3A_247, %jit3A_244 : i32
    %rem3A_249 = arith.remsi %sub3A_163, %select_n3A_248 : i32
    %ne3A_250 = arith.constant 0 : i32
    %ne3A_251 = arith.cmpi ne, %rem3A_249, %ne3A_250 : i32
    %lt3A_252 = arith.constant 0 : i32
    %lt3A_253 = arith.cmpi slt, %rem3A_249, %lt3A_252 : i32
    %lt3A_254 = arith.constant 0 : i32
    %lt3A_255 = arith.cmpi slt, %select_n3A_248, %lt3A_254 : i32
    %ne3A_256 = arith.xori %lt3A_253, %lt3A_255 : i1
    %and3A_257 = arith.andi %ne3A_256, %ne3A_251 : i1
    %add3A_258 = arith.addi %rem3A_249, %select_n3A_248 : i32
    %select_n3A_259 = arith.select %and3A_257, %add3A_258, %rem3A_249 : i32
    %mul3A_260 = arith.constant 2 : i32
    %mul3A_261 = arith.muli %select_n3A_259, %mul3A_260 : i32
    %mul3A_262 = arith.constant 4 : i32
    %mul3A_263 = arith.muli %select_n3A_243, %mul3A_262 : i32
    %add3A_264 = arith.constant 1 : i32
    %add3A_265 = arith.addi %mul3A_263, %add3A_264 : i32
    %mul3A_266 = arith.constant 128 : i32
    %mul3A_267 = arith.muli %add3A_265, %mul3A_266 : i32
    %add3A_268 = arith.addi %mul3A_267, %mul3A_261 : i32
    %mul3A_269 = arith.constant 1024 : i32
    %mul3A_270 = arith.muli %add3A_268, %mul3A_269 : i32
    %dma_wait3A_271 = arith.constant 2048 : i32
    %dma_wait3A_272 = tpu.memref_slice %arg8[%dma_wait3A_271] : memref<8192xf32, #tpu.memory_space<vmem>> -> memref<2048xf32, #tpu.memory_space<vmem>>
    %dma_wait3A_273 = tpu.memref_slice %arg4[%mul3A_270] : memref<13631488xf32, #tpu.memory_space<hbm>> -> memref<2048xf32, #tpu.memory_space<hbm>>
    %dma_wait3A_274 = tpu.memref_slice %arg4[%mul3A_270] : memref<13631488xf32, #tpu.memory_space<hbm>> -> memref<2048xf32, #tpu.memory_space<hbm>>
    %dma_wait3A_275 = arith.constant 2048 : i32
    %dma_wait3A_276 = tpu.memref_slice %arg8[%dma_wait3A_275] : memref<8192xf32, #tpu.memory_space<vmem>> -> memref<2048xf32, #tpu.memory_space<vmem>>
    tpu.wait_dma2 semaphore(%arg12 : memref<!tpu.dma_semaphore, #tpu.memory_space<semaphore_mem>>) src(%dma_wait3A_276 : memref<2048xf32, #tpu.memory_space<vmem>>) dst(%dma_wait3A_274 : memref<2048xf32, #tpu.memory_space<hbm>>)
    %jit3A_277 = arith.constant 64 : i32
    %div3A_278 = arith.divsi %sub3A_163, %jit3A_277 : i32
    %sign3A_279 = arith.constant 0 : i32
    %sign3A_280 = arith.cmpi sgt, %sub3A_163, %sign3A_279 : i32
    %sign3A_281 = arith.extui %sign3A_280 : i1 to i32
    %sign3A_282 = arith.constant 0 : i32
    %sign3A_283 = arith.cmpi slt, %sub3A_163, %sign3A_282 : i32
    %sign3A_284 = arith.extui %sign3A_283 : i1 to i32
    %sign3A_285 = arith.subi %sign3A_281, %sign3A_284 : i32
    %sign3A_286 = arith.constant 0 : i32
    %sign3A_287 = arith.cmpi sgt, %jit3A_277, %sign3A_286 : i32
    %sign3A_288 = arith.extui %sign3A_287 : i1 to i32
    %sign3A_289 = arith.constant 0 : i32
    %sign3A_290 = arith.cmpi slt, %jit3A_277, %sign3A_289 : i32
    %sign3A_291 = arith.extui %sign3A_290 : i1 to i32
    %sign3A_292 = arith.subi %sign3A_288, %sign3A_291 : i32
    %ne3A_293 = arith.cmpi ne, %sign3A_285, %sign3A_292 : i32
    %rem3A_294 = arith.remsi %sub3A_163, %jit3A_277 : i32
    %ne3A_295 = arith.constant 0 : i32
    %ne3A_296 = arith.cmpi ne, %rem3A_294, %ne3A_295 : i32
    %and3A_297 = arith.andi %ne3A_293, %ne3A_296 : i1
    %sub3A_298 = arith.constant 1 : i32
    %sub3A_299 = arith.subi %div3A_278, %sub3A_298 : i32
    %select_n3A_300 = arith.select %and3A_297, %sub3A_299, %div3A_278 : i32
    %jit3A_301 = arith.constant 64 : i32
    %eq3A_302 = arith.constant 0 : i32
    %eq3A_303 = arith.cmpi eq, %jit3A_301, %eq3A_302 : i32
    %jit3A_304 = arith.constant 1 : i32
    %select_n3A_305 = arith.select %eq3A_303, %jit3A_304, %jit3A_301 : i32
    %rem3A_306 = arith.remsi %sub3A_163, %select_n3A_305 : i32
    %ne3A_307 = arith.constant 0 : i32
    %ne3A_308 = arith.cmpi ne, %rem3A_306, %ne3A_307 : i32
    %lt3A_309 = arith.constant 0 : i32
    %lt3A_310 = arith.cmpi slt, %rem3A_306, %lt3A_309 : i32
    %lt3A_311 = arith.constant 0 : i32
    %lt3A_312 = arith.cmpi slt, %select_n3A_305, %lt3A_311 : i32
    %ne3A_313 = arith.xori %lt3A_310, %lt3A_312 : i1
    %and3A_314 = arith.andi %ne3A_313, %ne3A_308 : i1
    %add3A_315 = arith.addi %rem3A_306, %select_n3A_305 : i32
    %select_n3A_316 = arith.select %and3A_314, %add3A_315, %rem3A_306 : i32
    %mul3A_317 = arith.constant 2 : i32
    %mul3A_318 = arith.muli %select_n3A_316, %mul3A_317 : i32
    %mul3A_319 = arith.constant 4 : i32
    %mul3A_320 = arith.muli %select_n3A_300, %mul3A_319 : i32
    %add3A_321 = arith.constant 2 : i32
    %add3A_322 = arith.addi %mul3A_320, %add3A_321 : i32
    %mul3A_323 = arith.constant 128 : i32
    %mul3A_324 = arith.muli %add3A_322, %mul3A_323 : i32
    %add3A_325 = arith.addi %mul3A_324, %mul3A_318 : i32
    %mul3A_326 = arith.constant 1024 : i32
    %mul3A_327 = arith.muli %add3A_325, %mul3A_326 : i32
    %dma_wait3A_328 = arith.constant 4096 : i32
    %dma_wait3A_329 = tpu.memref_slice %arg8[%dma_wait3A_328] : memref<8192xf32, #tpu.memory_space<vmem>> -> memref<2048xf32, #tpu.memory_space<vmem>>
    %dma_wait3A_330 = tpu.memref_slice %arg4[%mul3A_327] : memref<13631488xf32, #tpu.memory_space<hbm>> -> memref<2048xf32, #tpu.memory_space<hbm>>
    %dma_wait3A_331 = tpu.memref_slice %arg4[%mul3A_327] : memref<13631488xf32, #tpu.memory_space<hbm>> -> memref<2048xf32, #tpu.memory_space<hbm>>
    %dma_wait3A_332 = arith.constant 4096 : i32
    %dma_wait3A_333 = tpu.memref_slice %arg8[%dma_wait3A_332] : memref<8192xf32, #tpu.memory_space<vmem>> -> memref<2048xf32, #tpu.memory_space<vmem>>
    tpu.wait_dma2 semaphore(%arg12 : memref<!tpu.dma_semaphore, #tpu.memory_space<semaphore_mem>>) src(%dma_wait3A_333 : memref<2048xf32, #tpu.memory_space<vmem>>) dst(%dma_wait3A_331 : memref<2048xf32, #tpu.memory_space<hbm>>)
    %jit3A_334 = arith.constant 64 : i32
    %div3A_335 = arith.divsi %sub3A_163, %jit3A_334 : i32
    %sign3A_336 = arith.constant 0 : i32
    %sign3A_337 = arith.cmpi sgt, %sub3A_163, %sign3A_336 : i32
    %sign3A_338 = arith.extui %sign3A_337 : i1 to i32
    %sign3A_339 = arith.constant 0 : i32
    %sign3A_340 = arith.cmpi slt, %sub3A_163, %sign3A_339 : i32
    %sign3A_341 = arith.extui %sign3A_340 : i1 to i32
    %sign3A_342 = arith.subi %sign3A_338, %sign3A_341 : i32
    %sign3A_343 = arith.constant 0 : i32
    %sign3A_344 = arith.cmpi sgt, %jit3A_334, %sign3A_343 : i32
    %sign3A_345 = arith.extui %sign3A_344 : i1 to i32
    %sign3A_346 = arith.constant 0 : i32
    %sign3A_347 = arith.cmpi slt, %jit3A_334, %sign3A_346 : i32
    %sign3A_348 = arith.extui %sign3A_347 : i1 to i32
    %sign3A_349 = arith.subi %sign3A_345, %sign3A_348 : i32
    %ne3A_350 = arith.cmpi ne, %sign3A_342, %sign3A_349 : i32
    %rem3A_351 = arith.remsi %sub3A_163, %jit3A_334 : i32
    %ne3A_352 = arith.constant 0 : i32
    %ne3A_353 = arith.cmpi ne, %rem3A_351, %ne3A_352 : i32
    %and3A_354 = arith.andi %ne3A_350, %ne3A_353 : i1
    %sub3A_355 = arith.constant 1 : i32
    %sub3A_356 = arith.subi %div3A_335, %sub3A_355 : i32
    %select_n3A_357 = arith.select %and3A_354, %sub3A_356, %div3A_335 : i32
    %jit3A_358 = arith.constant 64 : i32
    %eq3A_359 = arith.constant 0 : i32
    %eq3A_360 = arith.cmpi eq, %jit3A_358, %eq3A_359 : i32
    %jit3A_361 = arith.constant 1 : i32
    %select_n3A_362 = arith.select %eq3A_360, %jit3A_361, %jit3A_358 : i32
    %rem3A_363 = arith.remsi %sub3A_163, %select_n3A_362 : i32
    %ne3A_364 = arith.constant 0 : i32
    %ne3A_365 = arith.cmpi ne, %rem3A_363, %ne3A_364 : i32
    %lt3A_366 = arith.constant 0 : i32
    %lt3A_367 = arith.cmpi slt, %rem3A_363, %lt3A_366 : i32
    %lt3A_368 = arith.constant 0 : i32
    %lt3A_369 = arith.cmpi slt, %select_n3A_362, %lt3A_368 : i32
    %ne3A_370 = arith.xori %lt3A_367, %lt3A_369 : i1
    %and3A_371 = arith.andi %ne3A_370, %ne3A_365 : i1
    %add3A_372 = arith.addi %rem3A_363, %select_n3A_362 : i32
    %select_n3A_373 = arith.select %and3A_371, %add3A_372, %rem3A_363 : i32
    %mul3A_374 = arith.constant 2 : i32
    %mul3A_375 = arith.muli %select_n3A_373, %mul3A_374 : i32
    %mul3A_376 = arith.constant 4 : i32
    %mul3A_377 = arith.muli %select_n3A_357, %mul3A_376 : i32
    %add3A_378 = arith.constant 3 : i32
    %add3A_379 = arith.addi %mul3A_377, %add3A_378 : i32
    %mul3A_380 = arith.constant 128 : i32
    %mul3A_381 = arith.muli %add3A_379, %mul3A_380 : i32
    %add3A_382 = arith.addi %mul3A_381, %mul3A_375 : i32
    %mul3A_383 = arith.constant 1024 : i32
    %mul3A_384 = arith.muli %add3A_382, %mul3A_383 : i32
    %dma_wait3A_385 = arith.constant 6144 : i32
    %dma_wait3A_386 = tpu.memref_slice %arg8[%dma_wait3A_385] : memref<8192xf32, #tpu.memory_space<vmem>> -> memref<2048xf32, #tpu.memory_space<vmem>>
    %dma_wait3A_387 = tpu.memref_slice %arg4[%mul3A_384] : memref<13631488xf32, #tpu.memory_space<hbm>> -> memref<2048xf32, #tpu.memory_space<hbm>>
    %dma_wait3A_388 = tpu.memref_slice %arg4[%mul3A_384] : memref<13631488xf32, #tpu.memory_space<hbm>> -> memref<2048xf32, #tpu.memory_space<hbm>>
    %dma_wait3A_389 = arith.constant 6144 : i32
    %dma_wait3A_390 = tpu.memref_slice %arg8[%dma_wait3A_389] : memref<8192xf32, #tpu.memory_space<vmem>> -> memref<2048xf32, #tpu.memory_space<vmem>>
    tpu.wait_dma2 semaphore(%arg12 : memref<!tpu.dma_semaphore, #tpu.memory_space<semaphore_mem>>) src(%dma_wait3A_390 : memref<2048xf32, #tpu.memory_space<vmem>>) dst(%dma_wait3A_388 : memref<2048xf32, #tpu.memory_space<hbm>>)
    %add3A_391 = arith.constant 52 : i32
    %add3A_392 = arith.addi %mul3A_2, %add3A_391 : i32
    %sub3A_393 = arith.constant 1 : i32
    %sub3A_394 = arith.subi %add3A_392, %sub3A_393 : i32
    %jit3A_395 = arith.constant 64 : i32
    %div3A_396 = arith.divsi %sub3A_394, %jit3A_395 : i32
    %sign3A_397 = arith.constant 0 : i32
    %sign3A_398 = arith.cmpi sgt, %sub3A_394, %sign3A_397 : i32
    %sign3A_399 = arith.extui %sign3A_398 : i1 to i32
    %sign3A_400 = arith.constant 0 : i32
    %sign3A_401 = arith.cmpi slt, %sub3A_394, %sign3A_400 : i32
    %sign3A_402 = arith.extui %sign3A_401 : i1 to i32
    %sign3A_403 = arith.subi %sign3A_399, %sign3A_402 : i32
    %sign3A_404 = arith.constant 0 : i32
    %sign3A_405 = arith.cmpi sgt, %jit3A_395, %sign3A_404 : i32
    %sign3A_406 = arith.extui %sign3A_405 : i1 to i32
    %sign3A_407 = arith.constant 0 : i32
    %sign3A_408 = arith.cmpi slt, %jit3A_395, %sign3A_407 : i32
    %sign3A_409 = arith.extui %sign3A_408 : i1 to i32
    %sign3A_410 = arith.subi %sign3A_406, %sign3A_409 : i32
    %ne3A_411 = arith.cmpi ne, %sign3A_403, %sign3A_410 : i32
    %rem3A_412 = arith.remsi %sub3A_394, %jit3A_395 : i32
    %ne3A_413 = arith.constant 0 : i32
    %ne3A_414 = arith.cmpi ne, %rem3A_412, %ne3A_413 : i32
    %and3A_415 = arith.andi %ne3A_411, %ne3A_414 : i1
    %sub3A_416 = arith.constant 1 : i32
    %sub3A_417 = arith.subi %div3A_396, %sub3A_416 : i32
    %select_n3A_418 = arith.select %and3A_415, %sub3A_417, %div3A_396 : i32
    %jit3A_419 = arith.constant 64 : i32
    %eq3A_420 = arith.constant 0 : i32
    %eq3A_421 = arith.cmpi eq, %jit3A_419, %eq3A_420 : i32
    %jit3A_422 = arith.constant 1 : i32
    %select_n3A_423 = arith.select %eq3A_421, %jit3A_422, %jit3A_419 : i32
    %rem3A_424 = arith.remsi %sub3A_394, %select_n3A_423 : i32
    %ne3A_425 = arith.constant 0 : i32
    %ne3A_426 = arith.cmpi ne, %rem3A_424, %ne3A_425 : i32
    %lt3A_427 = arith.constant 0 : i32
    %lt3A_428 = arith.cmpi slt, %rem3A_424, %lt3A_427 : i32
    %lt3A_429 = arith.constant 0 : i32
    %lt3A_430 = arith.cmpi slt, %select_n3A_423, %lt3A_429 : i32
    %ne3A_431 = arith.xori %lt3A_428, %lt3A_430 : i1
    %and3A_432 = arith.andi %ne3A_431, %ne3A_426 : i1
    %add3A_433 = arith.addi %rem3A_424, %select_n3A_423 : i32
    %select_n3A_434 = arith.select %and3A_432, %add3A_433, %rem3A_424 : i32
    %mul3A_435 = arith.constant 2 : i32
    %mul3A_436 = arith.muli %select_n3A_434, %mul3A_435 : i32
    %mul3A_437 = arith.constant 4 : i32
    %mul3A_438 = arith.muli %select_n3A_418, %mul3A_437 : i32
    %add3A_439 = arith.constant 0 : i32
    %add3A_440 = arith.addi %mul3A_438, %add3A_439 : i32
    %mul3A_441 = arith.constant 128 : i32
    %mul3A_442 = arith.muli %add3A_440, %mul3A_441 : i32
    %add3A_443 = arith.addi %mul3A_442, %mul3A_436 : i32
    %mul3A_444 = arith.constant 1024 : i32
    %mul3A_445 = arith.muli %add3A_443, %mul3A_444 : i32
    %dma_wait3A_446 = arith.constant 0 : i32
    %dma_wait3A_447 = tpu.memref_slice %arg9[%dma_wait3A_446] : memref<8192xf32, #tpu.memory_space<vmem>> -> memref<2048xf32, #tpu.memory_space<vmem>>
    %dma_wait3A_448 = tpu.memref_slice %arg4[%mul3A_445] : memref<13631488xf32, #tpu.memory_space<hbm>> -> memref<2048xf32, #tpu.memory_space<hbm>>
    %dma_wait3A_449 = tpu.memref_slice %arg4[%mul3A_445] : memref<13631488xf32, #tpu.memory_space<hbm>> -> memref<2048xf32, #tpu.memory_space<hbm>>
    %dma_wait3A_450 = arith.constant 0 : i32
    %dma_wait3A_451 = tpu.memref_slice %arg9[%dma_wait3A_450] : memref<8192xf32, #tpu.memory_space<vmem>> -> memref<2048xf32, #tpu.memory_space<vmem>>
    tpu.wait_dma2 semaphore(%arg13 : memref<!tpu.dma_semaphore, #tpu.memory_space<semaphore_mem>>) src(%dma_wait3A_451 : memref<2048xf32, #tpu.memory_space<vmem>>) dst(%dma_wait3A_449 : memref<2048xf32, #tpu.memory_space<hbm>>)
    %jit3A_452 = arith.constant 64 : i32
    %div3A_453 = arith.divsi %sub3A_394, %jit3A_452 : i32
    %sign3A_454 = arith.constant 0 : i32
    %sign3A_455 = arith.cmpi sgt, %sub3A_394, %sign3A_454 : i32
    %sign3A_456 = arith.extui %sign3A_455 : i1 to i32
    %sign3A_457 = arith.constant 0 : i32
    %sign3A_458 = arith.cmpi slt, %sub3A_394, %sign3A_457 : i32
    %sign3A_459 = arith.extui %sign3A_458 : i1 to i32
    %sign3A_460 = arith.subi %sign3A_456, %sign3A_459 : i32
    %sign3A_461 = arith.constant 0 : i32
    %sign3A_462 = arith.cmpi sgt, %jit3A_452, %sign3A_461 : i32
    %sign3A_463 = arith.extui %sign3A_462 : i1 to i32
    %sign3A_464 = arith.constant 0 : i32
    %sign3A_465 = arith.cmpi slt, %jit3A_452, %sign3A_464 : i32
    %sign3A_466 = arith.extui %sign3A_465 : i1 to i32
    %sign3A_467 = arith.subi %sign3A_463, %sign3A_466 : i32
    %ne3A_468 = arith.cmpi ne, %sign3A_460, %sign3A_467 : i32
    %rem3A_469 = arith.remsi %sub3A_394, %jit3A_452 : i32
    %ne3A_470 = arith.constant 0 : i32
    %ne3A_471 = arith.cmpi ne, %rem3A_469, %ne3A_470 : i32
    %and3A_472 = arith.andi %ne3A_468, %ne3A_471 : i1
    %sub3A_473 = arith.constant 1 : i32
    %sub3A_474 = arith.subi %div3A_453, %sub3A_473 : i32
    %select_n3A_475 = arith.select %and3A_472, %sub3A_474, %div3A_453 : i32
    %jit3A_476 = arith.constant 64 : i32
    %eq3A_477 = arith.constant 0 : i32
    %eq3A_478 = arith.cmpi eq, %jit3A_476, %eq3A_477 : i32
    %jit3A_479 = arith.constant 1 : i32
    %select_n3A_480 = arith.select %eq3A_478, %jit3A_479, %jit3A_476 : i32
    %rem3A_481 = arith.remsi %sub3A_394, %select_n3A_480 : i32
    %ne3A_482 = arith.constant 0 : i32
    %ne3A_483 = arith.cmpi ne, %rem3A_481, %ne3A_482 : i32
    %lt3A_484 = arith.constant 0 : i32
    %lt3A_485 = arith.cmpi slt, %rem3A_481, %lt3A_484 : i32
    %lt3A_486 = arith.constant 0 : i32
    %lt3A_487 = arith.cmpi slt, %select_n3A_480, %lt3A_486 : i32
    %ne3A_488 = arith.xori %lt3A_485, %lt3A_487 : i1
    %and3A_489 = arith.andi %ne3A_488, %ne3A_483 : i1
    %add3A_490 = arith.addi %rem3A_481, %select_n3A_480 : i32
    %select_n3A_491 = arith.select %and3A_489, %add3A_490, %rem3A_481 : i32
    %mul3A_492 = arith.constant 2 : i32
    %mul3A_493 = arith.muli %select_n3A_491, %mul3A_492 : i32
    %mul3A_494 = arith.constant 4 : i32
    %mul3A_495 = arith.muli %select_n3A_475, %mul3A_494 : i32
    %add3A_496 = arith.constant 1 : i32
    %add3A_497 = arith.addi %mul3A_495, %add3A_496 : i32
    %mul3A_498 = arith.constant 128 : i32
    %mul3A_499 = arith.muli %add3A_497, %mul3A_498 : i32
    %add3A_500 = arith.addi %mul3A_499, %mul3A_493 : i32
    %mul3A_501 = arith.constant 1024 : i32
    %mul3A_502 = arith.muli %add3A_500, %mul3A_501 : i32
    %dma_wait3A_503 = arith.constant 2048 : i32
    %dma_wait3A_504 = tpu.memref_slice %arg9[%dma_wait3A_503] : memref<8192xf32, #tpu.memory_space<vmem>> -> memref<2048xf32, #tpu.memory_space<vmem>>
    %dma_wait3A_505 = tpu.memref_slice %arg4[%mul3A_502] : memref<13631488xf32, #tpu.memory_space<hbm>> -> memref<2048xf32, #tpu.memory_space<hbm>>
    %dma_wait3A_506 = tpu.memref_slice %arg4[%mul3A_502] : memref<13631488xf32, #tpu.memory_space<hbm>> -> memref<2048xf32, #tpu.memory_space<hbm>>
    %dma_wait3A_507 = arith.constant 2048 : i32
    %dma_wait3A_508 = tpu.memref_slice %arg9[%dma_wait3A_507] : memref<8192xf32, #tpu.memory_space<vmem>> -> memref<2048xf32, #tpu.memory_space<vmem>>
    tpu.wait_dma2 semaphore(%arg13 : memref<!tpu.dma_semaphore, #tpu.memory_space<semaphore_mem>>) src(%dma_wait3A_508 : memref<2048xf32, #tpu.memory_space<vmem>>) dst(%dma_wait3A_506 : memref<2048xf32, #tpu.memory_space<hbm>>)
    %jit3A_509 = arith.constant 64 : i32
    %div3A_510 = arith.divsi %sub3A_394, %jit3A_509 : i32
    %sign3A_511 = arith.constant 0 : i32
    %sign3A_512 = arith.cmpi sgt, %sub3A_394, %sign3A_511 : i32
    %sign3A_513 = arith.extui %sign3A_512 : i1 to i32
    %sign3A_514 = arith.constant 0 : i32
    %sign3A_515 = arith.cmpi slt, %sub3A_394, %sign3A_514 : i32
    %sign3A_516 = arith.extui %sign3A_515 : i1 to i32
    %sign3A_517 = arith.subi %sign3A_513, %sign3A_516 : i32
    %sign3A_518 = arith.constant 0 : i32
    %sign3A_519 = arith.cmpi sgt, %jit3A_509, %sign3A_518 : i32
    %sign3A_520 = arith.extui %sign3A_519 : i1 to i32
    %sign3A_521 = arith.constant 0 : i32
    %sign3A_522 = arith.cmpi slt, %jit3A_509, %sign3A_521 : i32
    %sign3A_523 = arith.extui %sign3A_522 : i1 to i32
    %sign3A_524 = arith.subi %sign3A_520, %sign3A_523 : i32
    %ne3A_525 = arith.cmpi ne, %sign3A_517, %sign3A_524 : i32
    %rem3A_526 = arith.remsi %sub3A_394, %jit3A_509 : i32
    %ne3A_527 = arith.constant 0 : i32
    %ne3A_528 = arith.cmpi ne, %rem3A_526, %ne3A_527 : i32
    %and3A_529 = arith.andi %ne3A_525, %ne3A_528 : i1
    %sub3A_530 = arith.constant 1 : i32
    %sub3A_531 = arith.subi %div3A_510, %sub3A_530 : i32
    %select_n3A_532 = arith.select %and3A_529, %sub3A_531, %div3A_510 : i32
    %jit3A_533 = arith.constant 64 : i32
    %eq3A_534 = arith.constant 0 : i32
    %eq3A_535 = arith.cmpi eq, %jit3A_533, %eq3A_534 : i32
    %jit3A_536 = arith.constant 1 : i32
    %select_n3A_537 = arith.select %eq3A_535, %jit3A_536, %jit3A_533 : i32
    %rem3A_538 = arith.remsi %sub3A_394, %select_n3A_537 : i32
    %ne3A_539 = arith.constant 0 : i32
    %ne3A_540 = arith.cmpi ne, %rem3A_538, %ne3A_539 : i32
    %lt3A_541 = arith.constant 0 : i32
    %lt3A_542 = arith.cmpi slt, %rem3A_538, %lt3A_541 : i32
    %lt3A_543 = arith.constant 0 : i32
    %lt3A_544 = arith.cmpi slt, %select_n3A_537, %lt3A_543 : i32
    %ne3A_545 = arith.xori %lt3A_542, %lt3A_544 : i1
    %and3A_546 = arith.andi %ne3A_545, %ne3A_540 : i1
    %add3A_547 = arith.addi %rem3A_538, %select_n3A_537 : i32
    %select_n3A_548 = arith.select %and3A_546, %add3A_547, %rem3A_538 : i32
    %mul3A_549 = arith.constant 2 : i32
    %mul3A_550 = arith.muli %select_n3A_548, %mul3A_549 : i32
    %mul3A_551 = arith.constant 4 : i32
    %mul3A_552 = arith.muli %select_n3A_532, %mul3A_551 : i32
    %add3A_553 = arith.constant 2 : i32
    %add3A_554 = arith.addi %mul3A_552, %add3A_553 : i32
    %mul3A_555 = arith.constant 128 : i32
    %mul3A_556 = arith.muli %add3A_554, %mul3A_555 : i32
    %add3A_557 = arith.addi %mul3A_556, %mul3A_550 : i32
    %mul3A_558 = arith.constant 1024 : i32
    %mul3A_559 = arith.muli %add3A_557, %mul3A_558 : i32
    %dma_wait3A_560 = arith.constant 4096 : i32
    %dma_wait3A_561 = tpu.memref_slice %arg9[%dma_wait3A_560] : memref<8192xf32, #tpu.memory_space<vmem>> -> memref<2048xf32, #tpu.memory_space<vmem>>
    %dma_wait3A_562 = tpu.memref_slice %arg4[%mul3A_559] : memref<13631488xf32, #tpu.memory_space<hbm>> -> memref<2048xf32, #tpu.memory_space<hbm>>
    %dma_wait3A_563 = tpu.memref_slice %arg4[%mul3A_559] : memref<13631488xf32, #tpu.memory_space<hbm>> -> memref<2048xf32, #tpu.memory_space<hbm>>
    %dma_wait3A_564 = arith.constant 4096 : i32
    %dma_wait3A_565 = tpu.memref_slice %arg9[%dma_wait3A_564] : memref<8192xf32, #tpu.memory_space<vmem>> -> memref<2048xf32, #tpu.memory_space<vmem>>
    tpu.wait_dma2 semaphore(%arg13 : memref<!tpu.dma_semaphore, #tpu.memory_space<semaphore_mem>>) src(%dma_wait3A_565 : memref<2048xf32, #tpu.memory_space<vmem>>) dst(%dma_wait3A_563 : memref<2048xf32, #tpu.memory_space<hbm>>)
    %jit3A_566 = arith.constant 64 : i32
    %div3A_567 = arith.divsi %sub3A_394, %jit3A_566 : i32
    %sign3A_568 = arith.constant 0 : i32
    %sign3A_569 = arith.cmpi sgt, %sub3A_394, %sign3A_568 : i32
    %sign3A_570 = arith.extui %sign3A_569 : i1 to i32
    %sign3A_571 = arith.constant 0 : i32
    %sign3A_572 = arith.cmpi slt, %sub3A_394, %sign3A_571 : i32
    %sign3A_573 = arith.extui %sign3A_572 : i1 to i32
    %sign3A_574 = arith.subi %sign3A_570, %sign3A_573 : i32
    %sign3A_575 = arith.constant 0 : i32
    %sign3A_576 = arith.cmpi sgt, %jit3A_566, %sign3A_575 : i32
    %sign3A_577 = arith.extui %sign3A_576 : i1 to i32
    %sign3A_578 = arith.constant 0 : i32
    %sign3A_579 = arith.cmpi slt, %jit3A_566, %sign3A_578 : i32
    %sign3A_580 = arith.extui %sign3A_579 : i1 to i32
    %sign3A_581 = arith.subi %sign3A_577, %sign3A_580 : i32
    %ne3A_582 = arith.cmpi ne, %sign3A_574, %sign3A_581 : i32
    %rem3A_583 = arith.remsi %sub3A_394, %jit3A_566 : i32
    %ne3A_584 = arith.constant 0 : i32
    %ne3A_585 = arith.cmpi ne, %rem3A_583, %ne3A_584 : i32
    %and3A_586 = arith.andi %ne3A_582, %ne3A_585 : i1
    %sub3A_587 = arith.constant 1 : i32
    %sub3A_588 = arith.subi %div3A_567, %sub3A_587 : i32
    %select_n3A_589 = arith.select %and3A_586, %sub3A_588, %div3A_567 : i32
    %jit3A_590 = arith.constant 64 : i32
    %eq3A_591 = arith.constant 0 : i32
    %eq3A_592 = arith.cmpi eq, %jit3A_590, %eq3A_591 : i32
    %jit3A_593 = arith.constant 1 : i32
    %select_n3A_594 = arith.select %eq3A_592, %jit3A_593, %jit3A_590 : i32
    %rem3A_595 = arith.remsi %sub3A_394, %select_n3A_594 : i32
    %ne3A_596 = arith.constant 0 : i32
    %ne3A_597 = arith.cmpi ne, %rem3A_595, %ne3A_596 : i32
    %lt3A_598 = arith.constant 0 : i32
    %lt3A_599 = arith.cmpi slt, %rem3A_595, %lt3A_598 : i32
    %lt3A_600 = arith.constant 0 : i32
    %lt3A_601 = arith.cmpi slt, %select_n3A_594, %lt3A_600 : i32
    %ne3A_602 = arith.xori %lt3A_599, %lt3A_601 : i1
    %and3A_603 = arith.andi %ne3A_602, %ne3A_597 : i1
    %add3A_604 = arith.addi %rem3A_595, %select_n3A_594 : i32
    %select_n3A_605 = arith.select %and3A_603, %add3A_604, %rem3A_595 : i32
    %mul3A_606 = arith.constant 2 : i32
    %mul3A_607 = arith.muli %select_n3A_605, %mul3A_606 : i32
    %mul3A_608 = arith.constant 4 : i32
    %mul3A_609 = arith.muli %select_n3A_589, %mul3A_608 : i32
    %add3A_610 = arith.constant 3 : i32
    %add3A_611 = arith.addi %mul3A_609, %add3A_610 : i32
    %mul3A_612 = arith.constant 128 : i32
    %mul3A_613 = arith.muli %add3A_611, %mul3A_612 : i32
    %add3A_614 = arith.addi %mul3A_613, %mul3A_607 : i32
    %mul3A_615 = arith.constant 1024 : i32
    %mul3A_616 = arith.muli %add3A_614, %mul3A_615 : i32
    %dma_wait3A_617 = arith.constant 6144 : i32
    %dma_wait3A_618 = tpu.memref_slice %arg9[%dma_wait3A_617] : memref<8192xf32, #tpu.memory_space<vmem>> -> memref<2048xf32, #tpu.memory_space<vmem>>
    %dma_wait3A_619 = tpu.memref_slice %arg4[%mul3A_616] : memref<13631488xf32, #tpu.memory_space<hbm>> -> memref<2048xf32, #tpu.memory_space<hbm>>
    %dma_wait3A_620 = tpu.memref_slice %arg4[%mul3A_616] : memref<13631488xf32, #tpu.memory_space<hbm>> -> memref<2048xf32, #tpu.memory_space<hbm>>
    %dma_wait3A_621 = arith.constant 6144 : i32
    %dma_wait3A_622 = tpu.memref_slice %arg9[%dma_wait3A_621] : memref<8192xf32, #tpu.memory_space<vmem>> -> memref<2048xf32, #tpu.memory_space<vmem>>
    tpu.wait_dma2 semaphore(%arg13 : memref<!tpu.dma_semaphore, #tpu.memory_space<semaphore_mem>>) src(%dma_wait3A_622 : memref<2048xf32, #tpu.memory_space<vmem>>) dst(%dma_wait3A_620 : memref<2048xf32, #tpu.memory_space<hbm>>)
    return
  }
}

</mosaic_0001>

<sc_bundles>
// kernel: kernel.3.cloned.1.call-start
scs
__scs_entry_jumppad:
0x0: {  	(pc) =	sbr.rel $0x88, $3  }
0x1: {  	(tag) =	ssettag $0x0;
	lr =	simm.s32 $0x1  }
0x2: {  	[smem:$0x3F9F] =	sst lr;
	_ =	strace $0xD0000000  }
0x3: {  	_ = 	snop  }
0x4: {  	_ = 	snop  }
0x5: {  	_ = 	snop  }
0x6: {  	_ = 	snop  }
0x7: {  	_ = 	snop  }
__scs_overlays_trampoline_lowered:
0x8: {  	[smem:$0x3FAE] =	sst s0  }
0x9: {  	[smem:$0x3FAF] =	sst s1  }
0xa: {  	[smem:$0x3FB0] =	sst s2  }
0xb: {  	[smem:$0x3FB1] =	sst s3  }
0xc: {  	[smem:$0x3FB2] =	sst s4  }
0xd: {  	[smem:$0x3FB3] =	sst s5  }
0xe: {  	[smem:$0x3FB4] =	sst s6  }
0xf: {  	[smem:$0x3FB5] =	sst s7  }
0x10: {  	[smem:$0x3FB6] =	sst s8  }
0x11: {  	[smem:$0x3FB7] =	sst s9;
	s0 =	simm.s32 @!p0 $0x0  }
0x12: {  	s1 =	sld [smem:$0x3F9D];
	s0 =	simm.s32 @p0 $0x1  }
0x13: {  	[smem:$0x3FB8] =	sst s0;
	s0 =	simm.s32 @!p1 $0x0  }
0x14: {  	s2 =	sld [smem:$0x3F9C];
	s0 =	simm.s32 @p1 $0x1  }
0x15: {  	[smem:$0x3FB9] =	sst s0;
	s0 =	simm.s32 @!p2 $0x0  }
0x16: {  	s3 =	sld [smem:$0x3FDB];
	s0 =	simm.s32 @p2 $0x1  }
0x17: {  	s4 =	simm.s32 $0x1BF5;
	[smem:$0x3FBB] =	sst s0  }
0x18: {  	s0 =	sld [smem:$0x3F9E];
	_ =	swait.ge [sflag:s4], $0x0  }
0x19: {  	s7 =	sld [smem:$0x3F9F]  }
0x1a: {  	s8 =	sadd.s32 $0xFFFFE003, lr  }
0x1b: {  	s9 =	sadd.s32 $0xFFFFFEF7, lr;
	s5 =	simm.s32 $0xFFFFFFFF;
	p2 =	slt.u32 s8, $0xFFFFF086  }
0x1c: {  	p1 =	slt.u32 s9, $0xF7A;
	s5 =	simm.s32 @!p2 $0x0  }
0x1d: {  	s5 =	simm.s32 @p1 $0x1;
	p0 =	seq.s32 s7, s2  }
0x1e: {  	s7 =	smul.u32 @!p0 $0xF7A, s2;
	p2 =	seq.s32 @!p0 s5, $0x0  }
0x1f: {  	s9 =	smul.u32 $0xF7A, s1;
	s8 =	simm.s32 @!p0 $0x1BF5;
	p2 =	por !p2, p0  }
0x20: {  	[sflag:s8] =	ssyncset.s32 @!p0 $0xFFFFF086;
	s6 =	sadd.s32 @!p0 s3, s7;
	s7 =	simm.s32 @!p0 $0x108  }
0x21: {  	s3 =	sadd.s32 s3, s9;
	s6 =	sadd.s32 @!p0 $0x88, s6;
	s7 =	simm.s32 @p2 $0x1082  }
0x22: {  	[simem:s7], [sflag:s8] =	dma.local @!p0 [hbm:s6], $0xF7A  }
0x23: {  	s9 =	sor.u32 $0xD0000000, s2;
	s6 =	simm.s32 $0x108;
	_ =	swait.ge @!p0 [sflag:s8], $0x0  }
0x24: {  	s3 =	sadd.s32 $0x88, s3;
	s6 =	simm.s32 @!p1 $0x1082;
	[sflag:s4] =	ssyncset.s32 $0xFFFFF086  }
0x25: {  	[simem:s6], [sflag:s4] =	dma.local [hbm:s3], $0xF7A  }
0x26: {  	[smem:$0x3F9F] =	sst s1;
	(tag) =	ssettag s2;
	_ =	strace s9  }
0x27: {  	s1 =	sld [smem:$0x3FAF]  }
0x28: {  	s2 =	sld [smem:$0x3FB0]  }
0x29: {  	s4 =	sld [smem:$0x3FB2]  }
0x2a: {  	p0 =	seq.s32 s5, $0x0;
	s5 =	sld [smem:$0x3FB3]  }
0x2b: {  	s6 =	sld [smem:$0x3FB4]  }
0x2c: {  	s7 =	sld [smem:$0x3FB5]  }
0x2d: {  	s3 =	simm.s32 $0x108;
	s8 =	sld [smem:$0x3FB6]  }
0x2e: {  	s3 =	simm.s32 @!p0 $0x1082;
	s9 =	sld [smem:$0x3FB7]  }
0x2f: {  	lr =	sadd.s32 s0, s3;
	s0 =	sld [smem:$0x3FAE]  }
0x30: {  	s3 =	sld [smem:$0x3FB1]  }
0x31: {  	[smem:$0x3FBA] =	sst s10  }
0x32: {  	s10 =	sld [smem:$0x3FB8];
	_ =	sdelay $0x3  }
0x33: {  	p0 =	seq.s32 s10, $0x1;
	s10 =	sld [smem:$0x3FBA];
	_ =	sdelay $0x3  }
0x34: {  	[smem:$0x3FBA] =	sst s10  }
0x35: {  	s10 =	sld [smem:$0x3FB9];
	_ =	sdelay $0x3  }
0x36: {  	p1 =	seq.s32 s10, $0x1;
	s10 =	sld [smem:$0x3FBA];
	_ =	sdelay $0x3  }
0x37: {  	[smem:$0x3FBA] =	sst s10  }
0x38: {  	s10 =	sld [smem:$0x3FBB]  }
0x39: {  	_ = 	snop;
	(pc) =	sbr.ind lr, $3  }
0x3a: {  	_ = 	snop  }
0x3b: {  	_ = 	snop  }
0x3c: {  	p2 =	seq.s32 s10, $0x1;
	s10 =	sld [smem:$0x3FBA]  }
0x3d: {  	_ =	shalt  }
0x3e: {  	_ =	shalt  }
0x3f: {  	_ =	shalt  }
0x40: {  	_ =	shalt  }
0x41: {  	_ =	shalt  }
0x42: {  	_ =	shalt  }
0x43: {  	_ =	shalt  }
0x44: {  	_ =	shalt  }
0x45: {  	_ =	shalt  }
0x46: {  	_ =	shalt  }
0x47: {  	_ =	shalt  }
0x48: {  	_ =	shalt  }
0x49: {  	_ =	shalt  }
0x4a: {  	_ =	shalt  }
0x4b: {  	_ =	shalt  }
0x4c: {  	_ =	shalt  }
0x4d: {  	_ =	shalt  }
0x4e: {  	_ =	shalt  }
0x4f: {  	_ =	shalt  }
0x50: {  	_ =	shalt  }
0x51: {  	_ =	shalt  }
0x52: {  	_ =	shalt  }
0x53: {  	_ =	shalt  }
0x54: {  	_ =	shalt  }
0x55: {  	_ =	shalt  }
0x56: {  	_ =	shalt  }
0x57: {  	_ =	shalt  }
0x58: {  	_ =	shalt  }
0x59: {  	_ =	shalt  }
0x5a: {  	_ =	shalt  }
0x5b: {  	_ =	shalt  }
0x5c: {  	_ =	shalt  }
0x5d: {  	_ =	shalt  }
0x5e: {  	_ =	shalt  }
0x5f: {  	_ =	shalt  }
0x60: {  	_ =	shalt  }
0x61: {  	_ =	shalt  }
0x62: {  	_ =	shalt  }
0x63: {  	_ =	shalt  }
0x64: {  	_ =	shalt  }
0x65: {  	_ =	shalt  }
0x66: {  	_ =	shalt  }
0x67: {  	_ =	shalt  }
0x68: {  	_ =	shalt  }
0x69: {  	_ =	shalt  }
0x6a: {  	_ =	shalt  }
0x6b: {  	_ =	shalt  }
0x6c: {  	_ =	shalt  }
0x6d: {  	_ =	shalt  }
0x6e: {  	_ =	shalt  }
0x6f: {  	_ =	shalt  }
0x70: {  	_ =	shalt  }
0x71: {  	_ =	shalt  }
0x72: {  	_ =	shalt  }
0x73: {  	_ =	shalt  }
0x74: {  	_ =	shalt  }
0x75: {  	_ =	shalt  }
0x76: {  	_ =	shalt  }
0x77: {  	_ =	shalt  }
0x78: {  	_ =	shalt  }
0x79: {  	_ =	shalt  }
0x7a: {  	_ =	shalt  }
0x7b: {  	_ =	shalt  }
0x7c: {  	_ =	shalt  }
0x7d: {  	_ =	shalt  }
0x7e: {  	_ =	shalt  }
0x7f: {  	_ =	shalt  }
0x80: {  	_ =	shalt  }
0x81: {  	_ =	shalt  }
0x82: {  	_ =	shalt  }
0x83: {  	_ =	shalt  }
0x84: {  	_ =	shalt  }
0x85: {  	_ =	shalt  }
0x86: {  	_ =	shalt  }
0x87: {  	_ =	shalt  }
.Lfunc_end0:
.L_simem_size_0:
called_computation_lowered:
.L_overlay_start_0:
0x88: {  	s2 =	sld [smem:$0x3FD9]  }
0x89: {  	s3 =	sld [smem:$0x3FFE];
	_ =	sdelay $0x1  }
0x8a: {  	s1 =	srdreg.scid  }
0x8b: {  	s0 =	sand.u32 $0x1, s1  }
0x8c: {  	s17 =	sshll.u32 s0, $0xA;
	s2 =	sadd.s32 s3, s2  }
0x8d: {  	s2 =	sadd.s32 s2, s17  }
0x8e: {  	[smem:$0x3FC6] =	sst s2  }
0x8f: {  	_ = 	snop  }
0x90: {  	s2 =	sld [smem:$0x3FD0];
	(tm) =	ssettm $0x1  }
0x91: {  	s18 =	sld [smem:$0x3FFB];
	_ =	sdelay $0x3  }
0x92: {  	_ =	strace s18  }
0x93: {  	s3 =	sld [smem:$0x3FFC];
	_ =	sdelay $0x3  }
0x94: {  	_ =	strace s3  }
0x95: {  	s3 =	sld [smem:$0x3FFD];
	_ =	sdelay $0x3  }
0x96: {  	_ =	strace s3  }
0x97: {  	_ =	strace $0x8FFFFFFF  }
0x98: {  	s19 =	sld [smem:$0x3FDB];
	_ =	sdelay $0x1  }
0x99: {  	s4 =	simm.s32 $_scs_section_size  }
0x9a: {  	s5 =	simm.s32 $_size__tile_overlayer_lowered;
	s6 =	simm.s32 $_tile_overlayer_lowered  }
0x9b: {  	s22 =	simm.s32 $0x1BFF;
	s21 =	sshll.u32 s6, $0x1;
	s3 =	sadd.s32 s4, s19  }
0x9c: {  	s7 =	simm.s32 $0x0;
	s20 =	sshll.u32 s5, $0x1;
	s5 =	sadd.s32 s21, s3  }
0x9d: {  	[timem:s7], [sflag:s22] =	dma.local [hbm:s5], s20  }
0x9e: {  	_ =	swait.ge [sflag:s22], s20  }
0x9f: {  	s4 =	ssub.s32 $0x0, s20;
	[sflag:s22] =	ssyncset.done $0x0  }
0xa0: {  	[sflag:s22] =	ssyncadd.s32 s4;
	_ =	sdelay $0x1  }
0xa1: {  	s23 =	simm.s32 $0x1B8B  }
0xa2: {  	_ =	swait.ge [sflag:s23], $0x1  }
0xa3: {  	[sflag:s23] =	ssyncset.done $0x0  }
0xa4: {  	s25 =	simm.s32 $0x1B8E;
	s24 =	sld [smem:$0x3FFE];
	[sflag:s23] =	ssyncadd.s32 $0xFFFFFFFF  }
0xa5: {  	s26 =	simm.s32 $execute0_lowered;
	[smem:$0x3FD2] =	sst s25  }
0xa6: {  	s5 =	sshll.u32 s26, $0x1;
	_ =	strace $0x80000046;
	[dreg:$0x1] =	wrdreg $0xFFFFFFFF  }
0xa7: {  	s28 =	simm.s32 $_size_execute0_lowered;
	s3 =	sadd.s32 s3, s5;
	[dreg:$0x0] =	wrdreg $0x0  }
0xa8: {  	s5 =	sshll.u32 s28, $0x1;
	[dreg:$0x2] =	wrdreg s3  }
0xa9: {  	[dreg:$0x3] =	wrdreg s5  }
0xaa: {  	[dreg:$0x4] =	wrdreg $0xC0  }
0xab: {  	_ =	task [dreg:s7], $0x5FFFF  }
0xac: {  	[dreg:$0x1] =	wrdreg $0xFFFFFFFF  }
0xad: {  	[dreg:$0x0] =	wrdreg $0x60  }
0xae: {  	[dreg:$0x2] =	wrdreg s24  }
0xaf: {  	[dreg:$0x3] =	wrdreg s2  }
0xb0: {  	[dreg:$0x4] =	wrdreg $0x9  }
0xb1: {  	_ =	task.clear_ibuf [dreg:s7], $0x5FFFF;
	_ =	strace $0x90000046  }
0xb2: {  	s29 =	simm.s32 $0x9;
	_ =	strace $0x80000048  }
0xb3: {  	_ =	swait.ge [sflag:s29], $0x1  }
0xb4: {  	[sflag:s29] =	ssyncadd.s32 $0xFFFFFFFF  }
0xb5: {  	_ =	strace $0x90000048  }
0xb6: {  	_ =	sfence  }
0xb7: {  	s30 =	sld [smem:$0x0];
	_ =	sdelay $0x2  }
0xb8: {  	s31 =	sshll.u32 s1, $0xD;
	s1 =	sshrl.u32 s1, $0x2  }
0xb9: {  	s3 =	sand.u32 $0x4000, s31;
	s1 =	sadd.s32 s1, s30  }
0xba: {  	s0 =	sor.u32 s3, s0;
	s1 =	sshll.u32 s1, $0x11  }
0xbb: {  	s0 =	sor.u32 s1, s0  }
0xbc: {  	s0 =	sadd.s32 $0x8F2B, s0  }
0xbd: {  	[sflag:s0] =	ssyncadd.remote.s32 $0x1  }
0xbe: {  	_ =	sfence.sel $0xFFFF  }
0xbf: {  	[dreg:$0x0] =	wrdreg $0xFFFFFFFF;
	(pc) =	sbr.abs _section_cstart, $3  }
0xc0: {  	[dreg:$0x1] =	wrdreg $0xFFFFFFFF  }
0xc1: {  	_ =	task.clear_ibuf [dreg:s7], $0x2FFFF;
	_ =	strace $0x9FFFFFFF  }
0xc2: {  	(tm) =	ssettm $0x7FFFFFFF  }
0xc3: {  	_ =	shalt  }
tec
execute0_lowered:
.L_overlay_start_1:
0x0: {  	(tag) =	ssettag $0x1  }
0x1: {  	v0 =	vimm.s32 $0xB80  }
0x2: {  	vm0 =	vcmask $0x300;
	v1 =	vimm.s32 $0x1B80;
	vm1 =	vcmask $0x704  }
0x3: {  	vm15 =	vcmask $0xB08;
	v0 =	vsel vm0, $0x0, v0;
	v1 =	vsel vm0, $0x1000, v1  }
0x4: {  	s0 =	srdreg.scid;
	s2 =	stileid.u32;
	vm4 =	vcmask $0xF0C;
	v0 =	vsel vm1, $0x80, v0;
	v1 =	vsel vm1, $0x1080, v1  }
0x5: {  	s1 =	rddreg [dreg:$0x0];
	vm5 =	vcmask $0x1310;
	s11 =	simm.s32 $0x5;
	s12 =	simm.s32 $0x80;
	v0 =	vsel vm15, $0x100, v0;
	v1 =	vsel vm15, $0x1100, v1  }
0x6: {  	vm6 =	vcmask $0x1714;
	s16 =	simm.s32 $0xB400;
	s18 =	simm.s32 $0xF400;
	s19 =	simm.s32 $0x1;
	v0 =	vsel vm4, $0x180, v0;
	v1 =	vsel vm4, $0x1180, v1  }
0x7: {  	vm7 =	vcmask $0x1B18;
	s20 =	simm.s32 $0x13400;
	s21 =	simm.s32 $0x13C00;
	s22 =	simm.s32 $0x14400;
	v0 =	vsel vm5, $0x200, v0;
	v1 =	vsel vm5, $0x1200, v1  }
0x8: {  	vm8 =	vcmask $0x1F1C;
	s23 =	simm.s32 $0x14C00;
	s24 =	simm.s32 $0x2;
	s28 =	simm.s32 $0x16400;
	v0 =	vsel vm6, $0x280, v0;
	v1 =	vsel vm6, $0x1280, v1  }
0x9: {  	vm9 =	vcmask $0x2320;
	s29 =	simm.s32 $0x16C00;
	s30 =	simm.s32 $0x3;
	s31 =	simm.s32 $0x4;
	v0 =	vsel vm7, $0x300, v0;
	v1 =	vsel vm7, $0x1300, v1  }
0xa: {  	vm10 =	vcmask $0x2724;
	s0 =	sand.u32 $0x1, s0;
	s3 =	sshll.u32 s2, $0x1;
	s2 =	rddreg [dreg:$0x1];
	v0 =	vsel vm8, $0x380, v0;
	v1 =	vsel vm8, $0x1380, v1  }
0xb: {  	vm11 =	vcmask $0x2B28;
	s5 =	sor.u32 s0, s3;
	s3 =	simm.s32 $0x0;
	s0 =	ssub.s32 $0x2, s0;
	v0 =	vsel vm9, $0x800, v0;
	v1 =	vsel vm9, $0x1800, v1  }
0xc: {  	vm12 =	vcmask $0x2F2C;
	s7 =	sadd.s32 $0x4000, s2;
	s8 =	sadd.s32 $0x8000, s2;
	s4 =	smul.u32 $0x680, s5;
	v0 =	vsel vm10, $0x880, v0;
	v1 =	vsel vm10, $0x1880, v1  }
.Ltmp0:
0xd: {  	vm13 =	vcmask $0x3330;
	s9 =	sadd.s32 $0xC000, s2;
	[smem:$0x7FF] =	sst s3;
	v0 =	vsel vm11, $0x900, v0;
	v1 =	vsel vm11, $0x1900, v1;
	(pc) =	sbr.rel .LBB2_1-.Ltmp0, $4  }
0xe: {  	vm14 =	vcmask $0x3734;
	s25 =	sshrl.u32 s0, $0x1;
	s5 =	smul.u32 $0x34, s5;
	_ =	strace $0x80000047;
	v0 =	vsel vm12, $0x980, v0;
	v1 =	vsel vm12, $0x1980, v1  }
0xf: {  	vm15 =	vcmask $0x3B38;
	s0 =	ssub.s32 s0, s25;
	s25 =	simm.s32 $0x15400;
	s6 =	sadd.s32 s4, s1;
	v0 =	vsel vm13, $0xA00, v0;
	v1 =	vsel vm13, $0x1A00, v1  }
0x10: {  	s4 =	sadd.s32 $0xF4FA00, s1;
	s10 =	smax.u32 s0, $0x1;
	s26 =	sadd.s32 $0xF42A00, s6;
	v0 =	vsel vm14, $0xA80, v0;
	v1 =	vsel vm14, $0x1A80, v1  }
0x11: {  	s1 =	simm.s32 $0x0;
	[dreg:$0x3] =	wrdreg s26;
	s26 =	simm.s32 $0x15C00;
	v0 =	vsel vm15, $0xB00, v0;
	v1 =	vsel vm15, $0x1B00, v1  }
.LBB2_8:
0x12: {  	_ =	swait.ge [sflag:s30], $0x800  }
0x13: {  	[sflag:s30] =	ssyncset.done $0x0  }
0x14: {  	[sflag:s30] =	ssyncadd.s32 $0xFFFFF800  }
0x15: {  	_ =	swait.ge [sflag:s30], $0x800  }
0x16: {  	[sflag:s30] =	ssyncset.done $0x0  }
0x17: {  	[sflag:s30] =	ssyncadd.s32 $0xFFFFF800  }
0x18: {  	_ =	swait.ge [sflag:s30], $0x800  }
0x19: {  	[sflag:s30] =	ssyncset.done $0x0  }
0x1a: {  	[sflag:s30] =	ssyncadd.s32 $0xFFFFF800  }
0x1b: {  	_ =	swait.ge [sflag:s30], $0x800  }
0x1c: {  	[sflag:s30] =	ssyncset.done $0x0  }
0x1d: {  	[sflag:s30] =	ssyncadd.s32 $0xFFFFF800  }
0x1e: {  	_ =	swait.ge [sflag:s31], $0x800  }
0x1f: {  	[sflag:s31] =	ssyncset.done $0x0  }
0x20: {  	[sflag:s31] =	ssyncadd.s32 $0xFFFFF800  }
0x21: {  	_ =	swait.ge [sflag:s31], $0x800  }
0x22: {  	[sflag:s31] =	ssyncset.done $0x0  }
0x23: {  	s1 =	sadd.s32 $0x1, s1;
	[sflag:s31] =	ssyncadd.s32 $0xFFFFF800  }
0x24: {  	p0 =	sne.s32 s1, s10;
	_ =	swait.ge [sflag:s31], $0x800  }
.Ltmp1:
0x25: {  	[sflag:s31] =	ssyncset.done $0x0;
	(pc) =	sbr.rel @!p0 .LBB2_9-.Ltmp1, $4  }
0x26: {  	[sflag:s31] =	ssyncadd.s32 $0xFFFFF800  }
0x27: {  	_ =	swait.ge [sflag:s31], $0x800  }
0x28: {  	[sflag:s31] =	ssyncset.done $0x0  }
0x29: {  	[sflag:s31] =	ssyncadd.s32 $0xFFFFF800  }
.LBB2_1:
0x2a: {  	s0 =	rddreg [dreg:$0x3]  }
0x2b: {  	[tilespmem:s3], [sflag:$0x5] =	stream.linear.gather [hbm4b:s0+s3], $0x3400, $0x38;
	[tilespmem:$0x17400] =	vst v63  }
0x2c: {  	_ =	swait.ge [sflag:s11], $0x3400  }
0x2d: {  	[sflag:s11] =	ssyncset.done $0x0  }
0x2e: {  	s13 =	simm.s32 $0x3400;
	[sflag:s11] =	ssyncadd.s32 $0xFFFFCC00  }
0x2f: {  	[tilespmem:s13], [sflag:$0x1] =	stream.indirect.gather [hbm4b:s4+s12], $0x80, s3, s12, $0xb8;
	[tilespmem:$0x17400] =	vst v63  }
0x30: {  	s14 =	simm.s32 $0x7400  }
0x31: {  	[tilespmem:s14], [sflag:$0x1] =	stream.indirect.gather [hbm4b:s4+s12], $0x80, s12, s12, $0xb8;
	[tilespmem:$0x17400] =	vst v63  }
0x32: {  	s15 =	simm.s32 $0x100  }
0x33: {  	[tilespmem:s16], [sflag:$0x2] =	stream.indirect.gather [hbm4b:s4+s12], $0x80, s15, s12, $0xb8;
	[tilespmem:$0x17400] =	vst v63  }
0x34: {  	s17 =	simm.s32 $0x180;
	s0 =	simm.s32 $0x0  }
0x35: {  	[tilespmem:s18], [sflag:$0x2] =	stream.indirect.gather [hbm4b:s4+s12], $0x80, s17, s12, $0xb8;
	[tilespmem:$0x17400] =	vst v63  }
.LBB2_2:
0x36: {  	_ =	swait.ge [sflag:s19], $0x4000  }
0x37: {  	[sflag:s19] =	ssyncset.done $0x0  }
0x38: {  	[sflag:s19] =	ssyncadd.s32 $0xFFFFC000  }
0x39: {  	_ =	swait.ge [sflag:s19], $0x4000  }
0x3a: {  	p0 =	seq.s32 s0, $0x0;
	[sflag:s19] =	ssyncset.done $0x0  }
0x3b: {  	s6 =	simm.s32 @!p0 $0x3;
	[sflag:s19] =	ssyncadd.s32 $0xFFFFC000  }
0x3c: {  	_ =	swait.ge @!p0 [sflag:s6], $0x800  }
0x3d: {  	[sflag:s6] =	ssyncset.done @!p0 $0x0  }
0x3e: {  	[sflag:s6] =	ssyncadd.s32 @!p0 $0xFFFFF800  }
0x3f: {  	_ =	swait.ge @!p0 [sflag:s6], $0x800  }
0x40: {  	[sflag:s6] =	ssyncset.done @!p0 $0x0  }
0x41: {  	[sflag:s6] =	ssyncadd.s32 @!p0 $0xFFFFF800  }
0x42: {  	_ =	swait.ge @!p0 [sflag:s6], $0x800  }
0x43: {  	[sflag:s6] =	ssyncset.done @!p0 $0x0  }
0x44: {  	[sflag:s6] =	ssyncadd.s32 @!p0 $0xFFFFF800  }
0x45: {  	s13 =	sshll.u32 s0, $0x1;
	s14 =	simm.s32 $0x401;
	_ =	swait.ge @!p0 [sflag:s6], $0x800  }
0x46: {  	s15 =	simm.s32 $0x80;
	s17 =	simm.s32 $0x600;
	[sflag:s6] =	ssyncset.done @!p0 $0x0  }
0x47: {  	s13 =	sadd.s32 s5, s13;
	[sflag:s6] =	ssyncadd.s32 @!p0 $0xFFFFF800;
	s6 =	simm.s32 $0x0  }
.LBB2_3:
0x48: {  	p1 =	sne.s32 s17, $0xFE00;
	v2 =	vld [tilespmem:s15+$0x3380];
	v3 =	vor.u32 s6, v0;
	_ =	sdelay $0x4  }
0x49: {  	[tilespmem:v3+s20+$0x0] =	vst.idx.msk $0xffff, v2  }
0x4a: {  	v3 =	vor.u32 s6, v1;
	v2 =	vld [tilespmem:s15+$0x3390];
	_ =	sdelay $0x4  }
0x4b: {  	s6 =	sadd.s32 $0xFFFFFFFF, s14;
	[tilespmem:v3+s20+$0x0] =	vst.idx.msk $0xffff, v2  }
0x4c: {  	v3 =	vor.u32 s6, v0;
	v2 =	vld [tilespmem:s15+$0x7380];
	_ =	sdelay $0x4  }
0x4d: {  	[tilespmem:v3+s20+$0x0] =	vst.idx.msk $0xffff, v2  }
0x4e: {  	v3 =	vor.u32 s6, v1;
	v2 =	vld [tilespmem:s15+$0x7390];
	_ =	sdelay $0x4  }
0x4f: {  	s6 =	sadd.s32 $0xFFFFFC00, s14;
	[tilespmem:v3+s20+$0x0] =	vst.idx.msk $0xffff, v2  }
0x50: {  	v3 =	vor.u32 s6, v0;
	v2 =	vld [tilespmem:s15+$0x3400];
	_ =	sdelay $0x4  }
0x51: {  	[tilespmem:v3+s20+$0x0] =	vst.idx.msk $0xffff, v2  }
0x52: {  	v3 =	vor.u32 s6, v1;
	v2 =	vld [tilespmem:s15+$0x3410];
	_ =	sdelay $0x4  }
0x53: {  	[tilespmem:v3+s20+$0x0] =	vst.idx.msk $0xffff, v2  }
0x54: {  	v3 =	vor.u32 s14, v0;
	v2 =	vld [tilespmem:s15+$0x7400];
	_ =	sdelay $0x4  }
0x55: {  	[tilespmem:v3+s20+$0x0] =	vst.idx.msk $0xffff, v2  }
0x56: {  	v3 =	vor.u32 s14, v1;
	v2 =	vld [tilespmem:s15+$0x7410]  }
.Ltmp2:
0x57: {  	(pc) =	sbr.rel @p1 .LBB2_3-.Ltmp2, $3  }
0x58: {  	_ =	sdelay $0x1  }
0x59: {  	s14 =	sadd.s32 $0x2, s14  }
0x5a: {  	s6 =	sadd.s32 $0xFFFFFBFF, s14;
	s15 =	sshra.s32 s17, $0x2;
	s17 =	sadd.s32 $0x400, s17;
	[tilespmem:v3+s20+$0x0] =	vst.idx.msk $0xffff, v2  }
0x5b: {  	v2 =	vld [tilespmem:s15+$0x3380];
	v3 =	vor.u32 s6, v0;
	_ =	sdelay $0x4  }
0x5c: {  	[tilespmem:v3+s20+$0x0] =	vst.idx.msk $0xffff, v2  }
0x5d: {  	v3 =	vor.u32 s6, v1;
	v2 =	vld [tilespmem:s15+$0x3390];
	_ =	sdelay $0x4  }
0x5e: {  	s17 =	sadd.s32 $0xFFFFFFFF, s14;
	[tilespmem:v3+s20+$0x0] =	vst.idx.msk $0xffff, v2  }
0x5f: {  	v3 =	vor.u32 s17, v0;
	v2 =	vld [tilespmem:s15+$0x7380];
	_ =	sdelay $0x4  }
0x60: {  	[tilespmem:v3+s20+$0x0] =	vst.idx.msk $0xffff, v2  }
0x61: {  	v3 =	vor.u32 s17, v1;
	v2 =	vld [tilespmem:s15+$0x7390];
	_ =	sdelay $0x4  }
0x62: {  	s17 =	sadd.s32 $0xFFFFFC00, s14;
	[tilespmem:v3+s20+$0x0] =	vst.idx.msk $0xffff, v2  }
0x63: {  	v3 =	vor.u32 s17, v0;
	v2 =	vld [tilespmem:s15+$0x3400];
	_ =	sdelay $0x4  }
0x64: {  	[tilespmem:v3+s20+$0x0] =	vst.idx.msk $0xffff, v2  }
0x65: {  	v3 =	vor.u32 s17, v1;
	v2 =	vld [tilespmem:s15+$0x3410];
	_ =	sdelay $0x4  }
0x66: {  	[tilespmem:v3+s20+$0x0] =	vst.idx.msk $0xffff, v2  }
0x67: {  	v3 =	vor.u32 s14, v0;
	v2 =	vld [tilespmem:s15+$0x7400];
	_ =	sdelay $0x4  }
0x68: {  	[tilespmem:v3+s20+$0x0] =	vst.idx.msk $0xffff, v2  }
0x69: {  	v3 =	vor.u32 s14, v1;
	v2 =	vld [tilespmem:s15+$0x7410];
	_ =	sdelay $0x1  }
0x6a: {  	s17 =	sshll.u32 s13, $0xA;
	s15 =	sshll.u32 s13, $0x8  }
0x6b: {  	s13 =	sand.u32 $0x7FFF0000, s17;
	s6 =	sand.u32 $0x3E00, s15  }
0x6c: {  	s13 =	sor.u32 s13, s6  }
0x6d: {  	s6 =	sadd.s32 s2, s13;
	[tilespmem:v3+s20+$0x0] =	vst.idx.msk $0xffff, v2  }
0x6e: {  	[hbm4b:s6+s3] =	stream.linear.scatter [tilespmem:s20], [sflag:$0x3], $0x800, $0x38;
	[tilespmem:$0x17400] =	vst v63  }
0x6f: {  	p1 =	seq.s32 s0, $0x19;
	s14 =	sadd.s32 s13, s7  }
0x70: {  	[hbm4b:s14+s3] =	stream.linear.scatter [tilespmem:s21], [sflag:$0x3], $0x800, $0x38;
	[tilespmem:$0x17400] =	vst v63  }
0x71: {  	s15 =	sadd.s32 s13, s8;
	s6 =	sshll.u32 @!p1 s0, $0x9  }
0x72: {  	[hbm4b:s15+s3] =	stream.linear.scatter [tilespmem:s22], [sflag:$0x3], $0x800, $0x38;
	[tilespmem:$0x17400] =	vst v63  }
0x73: {  	s17 =	sadd.s32 s13, s9;
	s6 =	sand.u32 @!p1 $0x3FFFFE00, s6  }
0x74: {  	[hbm4b:s17+s3] =	stream.linear.scatter [tilespmem:s23], [sflag:$0x3], $0x800, $0x38;
	[tilespmem:$0x17400] =	vst v63  }
0x75: {  	s14 =	sadd.s32 @!p1 $0x200, s6;
	s15 =	simm.s32 @!p1 $0x80;
	s17 =	simm.s32 @!p1 $0x3400  }
0x76: {  	[tilespmem:s17], [sflag:$0x1] =	stream.indirect.gather @!p1 [hbm4b:s4+s15], $0x80, s14, s15, $0xb8;
	[tilespmem:$0x17400] =	vst v63  }
0x77: {  	s6 =	sadd.s32 @!p1 $0x280, s6;
	s14 =	simm.s32 @!p1 $0x7400  }
0x78: {  	[tilespmem:s14], [sflag:$0x1] =	stream.indirect.gather @!p1 [hbm4b:s4+s15], $0x80, s6, s15, $0xb8;
	[tilespmem:$0x17400] =	vst v63  }
0x79: {  	_ =	swait.ge [sflag:s24], $0x4000  }
0x7a: {  	[sflag:s24] =	ssyncset.done $0x0  }
0x7b: {  	[sflag:s24] =	ssyncadd.s32 $0xFFFFC000  }
0x7c: {  	_ =	swait.ge [sflag:s24], $0x4000  }
0x7d: {  	[sflag:s24] =	ssyncset.done $0x0  }
0x7e: {  	s6 =	simm.s32 @!p0 $0x4;
	[sflag:s24] =	ssyncadd.s32 $0xFFFFC000  }
0x7f: {  	_ =	swait.ge @!p0 [sflag:s6], $0x800  }
0x80: {  	[sflag:s6] =	ssyncset.done @!p0 $0x0  }
0x81: {  	[sflag:s6] =	ssyncadd.s32 @!p0 $0xFFFFF800  }
0x82: {  	_ =	swait.ge @!p0 [sflag:s6], $0x800  }
0x83: {  	[sflag:s6] =	ssyncset.done @!p0 $0x0  }
0x84: {  	[sflag:s6] =	ssyncadd.s32 @!p0 $0xFFFFF800  }
0x85: {  	_ =	swait.ge @!p0 [sflag:s6], $0x800  }
0x86: {  	[sflag:s6] =	ssyncset.done @!p0 $0x0  }
0x87: {  	[sflag:s6] =	ssyncadd.s32 @!p0 $0xFFFFF800  }
0x88: {  	_ =	swait.ge @!p0 [sflag:s6], $0x800  }
0x89: {  	s17 =	simm.s32 $0x600;
	s14 =	simm.s32 $0x401;
	[sflag:s6] =	ssyncset.done @!p0 $0x0  }
0x8a: {  	s15 =	simm.s32 $0x80;
	[sflag:s6] =	ssyncadd.s32 @!p0 $0xFFFFF800;
	s6 =	simm.s32 $0x0  }
.LBB2_5:
0x8b: {  	p0 =	sne.s32 s17, $0xFE00;
	v2 =	vld [tilespmem:s15+$0xB380];
	v3 =	vor.u32 s6, v0;
	_ =	sdelay $0x4  }
0x8c: {  	[tilespmem:v3+s25+$0x0] =	vst.idx.msk $0xffff, v2  }
0x8d: {  	v3 =	vor.u32 s6, v1;
	v2 =	vld [tilespmem:s15+$0xB390];
	_ =	sdelay $0x4  }
0x8e: {  	s6 =	sadd.s32 $0xFFFFFFFF, s14;
	[tilespmem:v3+s25+$0x0] =	vst.idx.msk $0xffff, v2  }
0x8f: {  	v3 =	vor.u32 s6, v0;
	v2 =	vld [tilespmem:s15+$0xF380];
	_ =	sdelay $0x4  }
0x90: {  	[tilespmem:v3+s25+$0x0] =	vst.idx.msk $0xffff, v2  }
0x91: {  	v3 =	vor.u32 s6, v1;
	v2 =	vld [tilespmem:s15+$0xF390];
	_ =	sdelay $0x4  }
0x92: {  	s6 =	sadd.s32 $0xFFFFFC00, s14;
	[tilespmem:v3+s25+$0x0] =	vst.idx.msk $0xffff, v2  }
0x93: {  	v3 =	vor.u32 s6, v0;
	v2 =	vld [tilespmem:s15+$0xB400];
	_ =	sdelay $0x4  }
0x94: {  	[tilespmem:v3+s25+$0x0] =	vst.idx.msk $0xffff, v2  }
0x95: {  	v3 =	vor.u32 s6, v1;
	v2 =	vld [tilespmem:s15+$0xB410];
	_ =	sdelay $0x4  }
0x96: {  	[tilespmem:v3+s25+$0x0] =	vst.idx.msk $0xffff, v2  }
0x97: {  	v3 =	vor.u32 s14, v0;
	v2 =	vld [tilespmem:s15+$0xF400];
	_ =	sdelay $0x4  }
0x98: {  	[tilespmem:v3+s25+$0x0] =	vst.idx.msk $0xffff, v2  }
0x99: {  	v3 =	vor.u32 s14, v1;
	v2 =	vld [tilespmem:s15+$0xF410]  }
.Ltmp3:
0x9a: {  	(pc) =	sbr.rel @p0 .LBB2_5-.Ltmp3, $3  }
0x9b: {  	_ =	sdelay $0x1  }
0x9c: {  	s14 =	sadd.s32 $0x2, s14  }
0x9d: {  	s6 =	sadd.s32 $0xFFFFFBFF, s14;
	s15 =	sshra.s32 s17, $0x2;
	s17 =	sadd.s32 $0x400, s17;
	[tilespmem:v3+s25+$0x0] =	vst.idx.msk $0xffff, v2  }
0x9e: {  	v2 =	vld [tilespmem:s15+$0xB380];
	v3 =	vor.u32 s6, v0;
	_ =	sdelay $0x4  }
0x9f: {  	[tilespmem:v3+s25+$0x0] =	vst.idx.msk $0xffff, v2  }
0xa0: {  	v3 =	vor.u32 s6, v1;
	v2 =	vld [tilespmem:s15+$0xB390];
	_ =	sdelay $0x4  }
0xa1: {  	s17 =	sadd.s32 $0xFFFFFFFF, s14;
	[tilespmem:v3+s25+$0x0] =	vst.idx.msk $0xffff, v2  }
0xa2: {  	v3 =	vor.u32 s17, v0;
	v2 =	vld [tilespmem:s15+$0xF380];
	_ =	sdelay $0x4  }
0xa3: {  	[tilespmem:v3+s25+$0x0] =	vst.idx.msk $0xffff, v2  }
0xa4: {  	v3 =	vor.u32 s17, v1;
	v2 =	vld [tilespmem:s15+$0xF390];
	_ =	sdelay $0x4  }
0xa5: {  	s17 =	sadd.s32 $0xFFFFFC00, s14;
	[tilespmem:v3+s25+$0x0] =	vst.idx.msk $0xffff, v2  }
0xa6: {  	v3 =	vor.u32 s17, v0;
	v2 =	vld [tilespmem:s15+$0xB400];
	_ =	sdelay $0x4  }
0xa7: {  	[tilespmem:v3+s25+$0x0] =	vst.idx.msk $0xffff, v2  }
0xa8: {  	v3 =	vor.u32 s17, v1;
	v2 =	vld [tilespmem:s15+$0xB410];
	_ =	sdelay $0x4  }
0xa9: {  	[tilespmem:v3+s25+$0x0] =	vst.idx.msk $0xffff, v2  }
0xaa: {  	v3 =	vor.u32 s14, v0;
	v2 =	vld [tilespmem:s15+$0xF400];
	_ =	sdelay $0x4  }
0xab: {  	[tilespmem:v3+s25+$0x0] =	vst.idx.msk $0xffff, v2  }
0xac: {  	v3 =	vor.u32 s14, v1;
	v2 =	vld [tilespmem:s15+$0xF410];
	_ =	sdelay $0x3  }
0xad: {  	s14 =	sor.u32 $0x100, s13  }
0xae: {  	s13 =	sadd.s32 s2, s14;
	[tilespmem:v3+s25+$0x0] =	vst.idx.msk $0xffff, v2  }
0xaf: {  	[hbm4b:s13+s3] =	stream.linear.scatter [tilespmem:s25], [sflag:$0x4], $0x800, $0x38;
	[tilespmem:$0x17400] =	vst v63  }
0xb0: {  	s15 =	sadd.s32 s14, s7  }
0xb1: {  	[hbm4b:s15+s3] =	stream.linear.scatter [tilespmem:s26], [sflag:$0x4], $0x800, $0x38;
	[tilespmem:$0x17400] =	vst v63  }
.Ltmp4:
0xb2: {  	_ = 	snop;
	(pc) =	sbr.rel @p1 .LBB2_8-.Ltmp4, $4  }
0xb3: {  	s17 =	sadd.s32 s14, s8  }
0xb4: {  	[hbm4b:s17+s3] =	stream.linear.scatter [tilespmem:s28], [sflag:$0x4], $0x800, $0x38;
	[tilespmem:$0x17400] =	vst v63  }
0xb5: {  	s6 =	sadd.s32 s14, s9  }
0xb6: {  	[hbm4b:s6+s3] =	stream.linear.scatter [tilespmem:s29], [sflag:$0x4], $0x800, $0x38;
	[tilespmem:$0x17400] =	vst v63  }
0xb7: {  	s6 =	sshll.u32 s0, $0x9  }
.Ltmp5:
0xb8: {  	s6 =	sand.u32 $0x3FFFFE00, s6;
	(pc) =	sbr.rel .LBB2_2-.Ltmp5, $4  }
0xb9: {  	s13 =	sadd.s32 $0x300, s6  }
0xba: {  	[tilespmem:s16], [sflag:$0x2] =	stream.indirect.gather [hbm4b:s4+s12], $0x80, s13, s12, $0xb8;
	[tilespmem:$0x17400] =	vst v63  }
0xbb: {  	s0 =	sadd.s32 $0x1, s0;
	s6 =	sadd.s32 $0x380, s6  }
0xbc: {  	[tilespmem:s18], [sflag:$0x2] =	stream.indirect.gather [hbm4b:s4+s12], $0x80, s6, s12, $0xb8;
	[tilespmem:$0x17400] =	vst v63  }
.LBB2_9:
0xbd: {  	_ =	sfence.sel $0x180000  }
0xbe: {  	[bflag:$0x0] =	sbarrier.arrive $0xFFFF  }
0xbf: {  	_ =	strace $0x90000047  }
0xc0: {  	s0 =	stileid.u32;
	[bflag:$0x2] =	sbarrier.arrive $0xFFFF  }
0xc1: {  	p0 =	sne.s32 s0, $0x0;
	s0 =	rddreg [dreg:$0x2]  }
0xc2: {  	s0 =	sadd.s32 @!p0 $0x100000, s0  }
0xc3: {  	[sflag:s0] =	ssyncadd.tile.s32 @!p0 $0x1;
	_ =	shalt  }
.Lfunc_end2:
_tile_overlayer_lowered:
.L_overlay_start_2:
0xc4: {  	(tag) =	ssettag $0x2  }
0xc5: {  	s0 =	rddreg [dreg:$0x0];
	s2 =	stileid.u32  }
0xc6: {  	s1 =	rddreg [dreg:$0x1];
	p0 =	sne.s32 s2, $0x0  }
0xc7: {  	s3 =	rddreg [dreg:$0x2];
	[bflag:$0x3] =	sbarrier.arrive $0xFFFF;
	s2 =	simm.s32 @!p0 $0x1C05  }
0xc8: {  	[timem:s3], [sflag:s2] =	dma.local @!p0 [hbm:s0], s1  }
0xc9: {  	s0 =	simm.s32 @!p0 $0x5  }
0xca: {  	_ =	swait.ge @!p0 [sflag:s0], s1  }
0xcb: {  	s1 =	ssub.s32 @!p0 $0x0, s1;
	[sflag:s0] =	ssyncset.done @!p0 $0x0  }
0xcc: {  	[sflag:s0] =	ssyncadd.s32 @!p0 s1  }
0xcd: {  	[bflag:$0x3] =	sbarrier.arrive $0xFFFF  }
0xce: {  	_ =	shalt  }

</sc_bundles>
